<compile_context>
chip_gen: v7x
topology: tpu7x:2x2x1
jax: 0.10.2.dev20260603
libtpu: 0.0.44.dev20260713+nightly
codegen_flags: <defaults>
</compile_context>

<pallas_src>
import functools

import jax
import jax.numpy as jnp
from jax import lax
from jax.experimental import pallas as pl
from jax.experimental.pallas import tpu as pltpu
from jax.experimental.pallas import tpu_sc as plsc

N_NODES_C = 10000
N_EDGES_C = 320000
D_FEAT_C = 128
D_EDGE_C = 16
HID = 8

NC = 2
NS = 16
L = 16

N_PAIRS = NC * NS // 2
E_PER_PAIR = N_EDGES_C // N_PAIRS
SUB = 4000
NSUB = E_PER_PAIR // SUB


def _mm_abt_body(x_ref, w_ref, o_ref):
    o_ref[...] = lax.dot_general(
        w_ref[...], x_ref[...],
        dimension_numbers=(((0,), (1,)), ((), ())),
        preferred_element_type=jnp.float32,
        precision=lax.Precision.HIGHEST)


def _mm_c_body(ea_ref, w_ref, b_ref, o_ref):
    o_ref[...] = (
        jnp.dot(ea_ref[...], w_ref[...],
                preferred_element_type=jnp.float32,
                precision=lax.Precision.HIGHEST)
        + b_ref[...]
    )


_C_BLK = 4000


def _sc_edge_mlp(abt_hbm, ei_hbm, c_hbm, w2b_hbm,
                 out_hbm,
                 pa0, pa1, pa2, pa3, pb0, pb1, pb2, pb3,
                 rowv, colv, cv, sv, w2_v):
    c_id = lax.axis_index("c")
    s_id = lax.axis_index("s")
    pair = s_id // 2
    jh = s_id % 2
    ec = c_id * (NS // 2) + pair
    base = ec * E_PER_PAIR

    pa = [pa0, pa1, pa2, pa3]
    pb = [pb0, pb1, pb2, pb3]
    for jl in range(4):
        pltpu.sync_copy(abt_hbm.at[jh * 4 + jl], pa[jl])
        pltpu.sync_copy(abt_hbm.at[HID + jh * 4 + jl], pb[jl])
    pltpu.sync_copy(w2b_hbm.at[pl.ds(jh * 4, 4)], w2_v)

    w2r = [w2_v[j] for j in range(4)]
    zero16 = jnp.zeros((L,), jnp.float32)
    lane8 = lax.iota(jnp.int32, L) * 8

    def sub_chunk(k, carry):
        eb = base + k * SUB
        pltpu.sync_copy(ei_hbm.at[pl.ds(eb, SUB)], rowv)
        pltpu.sync_copy(ei_hbm.at[pl.ds(N_EDGES_C + eb, SUB)], colv)
        pltpu.sync_copy(c_hbm.at[pl.ds(eb * 8, SUB * 8)], cv)

        @plsc.parallel_loop(0, SUB // L, unroll=4)
        def inner(i):
            r16 = rowv[pl.ds(i * L, L)]
            q16 = colv[pl.ds(i * L, L)]
            cb = lane8 + i * (8 * L) + jh * 4
            s_acc = zero16
            for jl in range(4):
                ag = plsc.load_gather(pa[jl], [r16])
                bg = plsc.load_gather(pb[jl], [q16])
                cg = plsc.load_gather(cv, [cb + jl])
                pre = jnp.maximum(ag + bg + cg, 0.0)
                s_acc = s_acc + pre * w2r[jl]
            sv[pl.ds(i * L, L)] = s_acc

        pltpu.sync_copy(sv, out_hbm.at[pl.ds(jh * N_EDGES_C + eb, SUB)])

        return carry

    lax.fori_loop(0, NSUB, sub_chunk, 0)


_sc_call = functools.partial(
    pl.kernel,
    out_type=jax.ShapeDtypeStruct((2 * N_EDGES_C,), jnp.float32),
    mesh=plsc.VectorSubcoreMesh(core_axis_name="c", subcore_axis_name="s"),
    compiler_params=pltpu.CompilerParams(needs_layout_passes=False),
    scratch_types=(
        [pltpu.VMEM((N_NODES_C,), jnp.float32)] * 8
        + [
            pltpu.VMEM((SUB,), jnp.int32),
            pltpu.VMEM((SUB,), jnp.int32),
            pltpu.VMEM((SUB * 8,), jnp.float32),
            pltpu.VMEM((SUB,), jnp.float32),
            pltpu.VMEM((4, L), jnp.float32),
        ]
    ),
)


def _combine_body(s0_ref, s1_ref, b2_ref, o_ref):
    v = s0_ref[...] + s1_ref[...] + b2_ref[...]
    o_ref[...] = jax.nn.sigmoid(v)


def kernel(xn, edge_index, edge_attr, W1, b1, W2, b2):
    W1a = W1[:D_FEAT_C, :]
    W1b = W1[D_FEAT_C:2 * D_FEAT_C, :]
    W1c = W1[2 * D_FEAT_C:, :]
    Wab = jnp.concatenate([W1a, W1b], axis=1)

    ABt = pl.pallas_call(
        _mm_abt_body,
        out_shape=jax.ShapeDtypeStruct((2 * HID, N_NODES_C), jnp.float32),
    )(xn, Wab)

    ea_pack = edge_attr.reshape(N_EDGES_C // 8, 8 * D_EDGE_C)
    eye8 = jnp.eye(8, dtype=jnp.float32)
    w_bd = jnp.einsum("pq,kh->pkqh", eye8, W1c).reshape(8 * D_EDGE_C, 8 * HID)
    b_tile = jnp.tile(b1, 8).reshape(1, 8 * HID)
    C = pl.pallas_call(
        _mm_c_body,
        grid=(N_EDGES_C // 8 // _C_BLK,),
        in_specs=[
            pl.BlockSpec((_C_BLK, 8 * D_EDGE_C), lambda i: (i, 0)),
            pl.BlockSpec((8 * D_EDGE_C, 8 * HID), lambda i: (0, 0)),
            pl.BlockSpec((1, 8 * HID), lambda i: (0, 0)),
        ],
        out_specs=pl.BlockSpec((_C_BLK, 8 * HID), lambda i: (i, 0)),
        out_shape=jax.ShapeDtypeStruct((N_EDGES_C // 8, 8 * HID), jnp.float32),
    )(ea_pack, w_bd, b_tile)

    ei32 = edge_index.astype(jnp.int32).reshape(2 * N_EDGES_C)
    c_flat = C.reshape(-1)
    w2b = jnp.broadcast_to(W2.reshape(HID, 1), (HID, L))

    s01 = _sc_call(_sc_edge_mlp)(ABt, ei32, c_flat, w2b)
    s01_2d = s01.reshape(80, 8000)

    out = pl.pallas_call(
        _combine_body,
        grid=(1,),
        in_specs=[
            pl.BlockSpec((40, 8000), lambda i: (0, 0)),
            pl.BlockSpec((40, 8000), lambda i: (1, 0)),
            pl.BlockSpec((1, 1), lambda i: (0, 0)),
        ],
        out_specs=pl.BlockSpec((40, 8000), lambda i: (0, 0)),
        out_shape=jax.ShapeDtypeStruct((40, 8000), jnp.float32),
    )(s01_2d, s01_2d, b2.reshape(1, 1))
    return out.reshape(N_EDGES_C, 1)

# --- scband reference (transcript-rebuilt; emitter-appended) ---
"""Pipeline reference for scband-edge-pred-52948356825719 (READ-ONLY COPY).

The authoritative reference and input builder live on the scoring server;
editing this copy changes nothing except your own understanding.
"""

import jax, jax.numpy as jnp
import numpy as np

N_NODES = 10000
N_EDGES = 320000
D_FEAT = 128
D_EDGE = 16
HIDDEN = 8


def setup_inputs(seed: int = 0) -> dict:
    key = jax.random.key(seed)
    k1, k2, k3, k4, k5, k6, k7 = jax.random.split(key, 7)
    xn = jax.random.normal(k1, (N_NODES, D_FEAT), dtype=jnp.float32)
    edge_index = jax.random.randint(k2, (2, N_EDGES), 0, N_NODES, dtype=jnp.int64)
    edge_attr = jax.random.normal(k3, (N_EDGES, D_EDGE), dtype=jnp.float32)
    in_dim = 2 * D_FEAT + D_EDGE
    # Kaiming-uniform-ish init like torch Linear defaults
    lim1 = 1.0 / np.sqrt(in_dim)
    W1 = jax.random.uniform(k4, (in_dim, HIDDEN), dtype=jnp.float32, minval=-lim1, maxval=lim1)
    b1 = jax.random.uniform(k5, (HIDDEN,), dtype=jnp.float32, minval=-lim1, maxval=lim1)
    lim2 = 1.0 / np.sqrt(HIDDEN)
    W2 = jax.random.uniform(k6, (HIDDEN, 1), dtype=jnp.float32, minval=-lim2, maxval=lim2)
    b2 = jax.random.uniform(k7, (1,), dtype=jnp.float32, minval=-lim2, maxval=lim2)
    return {"xn": xn, "edge_index": edge_index, "edge_attr": edge_attr,
            "W1": W1, "b1": b1, "W2": W2, "b2": b2}


def reference(xn, edge_index, edge_attr, W1, b1, W2, b2):
    row = edge_index[0]
    col = edge_index[1]
    h = jnp.concatenate([jnp.take(xn, row, axis=0), jnp.take(xn, col, axis=0), edge_attr], axis=1)
    h = h @ W1 + b1
    h = jax.nn.relu(h)
    h = h @ W2 + b2
    return jax.nn.sigmoid(h)

if __name__ == "__main__":
    import jax
    _d = setup_inputs()
    print(jax.jit(kernel)(*tuple(_d.values())))

</pallas_src>

<mosaic_0001>
#map = affine_map<(d0, d1) -> (0, 0)>
#map1 = affine_map<(d0, d1) -> (0)>
module attributes {stable_mosaic.version = 14 : i64} {
  func.func @_sc_edge_mlp(%arg0: i32, %arg1: i32, %arg2: memref<16x10000xf32, #tpu.memory_space<hbm>>, %arg3: memref<640000xi32, #tpu.memory_space<hbm>>, %arg4: memref<2560000xf32, #tpu.memory_space<hbm>>, %arg5: memref<8x16xf32, #tpu.memory_space<hbm>>, %arg6: memref<640000xf32, #tpu.memory_space<hbm>>, %arg7: memref<10000xf32, #tpu.memory_space<vmem>>, %arg8: memref<10000xf32, #tpu.memory_space<vmem>>, %arg9: memref<10000xf32, #tpu.memory_space<vmem>>, %arg10: memref<10000xf32, #tpu.memory_space<vmem>>, %arg11: memref<10000xf32, #tpu.memory_space<vmem>>, %arg12: memref<10000xf32, #tpu.memory_space<vmem>>, %arg13: memref<10000xf32, #tpu.memory_space<vmem>>, %arg14: memref<10000xf32, #tpu.memory_space<vmem>>, %arg15: memref<4000xi32, #tpu.memory_space<vmem>>, %arg16: memref<4000xi32, #tpu.memory_space<vmem>>, %arg17: memref<32000xf32, #tpu.memory_space<vmem>>, %arg18: memref<4000xf32, #tpu.memory_space<vmem>>, %arg19: memref<4x16xf32, #tpu.memory_space<vmem>>) attributes {dimension_semantics = [#tpu.dimension_semantics<core_parallel>, #tpu.dimension_semantics<subcore_parallel>], iteration_bounds = array<i64: 2, 16>, scalar_prefetch = 0 : i64, scratch_operands = 13 : i64, tpu.core_type = #tpu.core_type<sc_vector_subcore>, window_params = [{transform_indices = #map}, {transform_indices = #map1}, {transform_indices = #map1}, {transform_indices = #map}, {transform_indices = #map1}]} {
    %jit3A = arith.constant 2 : i32
    %div3A = arith.divsi %arg1, %jit3A : i32
    %sign3A = arith.constant 0 : i32
    %sign3A_0 = arith.cmpi sgt, %arg1, %sign3A : i32
    %sign3A_1 = arith.extui %sign3A_0 : i1 to i32
    %sign3A_2 = arith.constant 0 : i32
    %sign3A_3 = arith.cmpi slt, %arg1, %sign3A_2 : i32
    %sign3A_4 = arith.extui %sign3A_3 : i1 to i32
    %sign3A_5 = arith.subi %sign3A_1, %sign3A_4 : i32
    %sign3A_6 = arith.constant 0 : i32
    %sign3A_7 = arith.cmpi sgt, %jit3A, %sign3A_6 : i32
    %sign3A_8 = arith.extui %sign3A_7 : i1 to i32
    %sign3A_9 = arith.constant 0 : i32
    %sign3A_10 = arith.cmpi slt, %jit3A, %sign3A_9 : i32
    %sign3A_11 = arith.extui %sign3A_10 : i1 to i32
    %sign3A_12 = arith.subi %sign3A_8, %sign3A_11 : i32
    %ne3A = arith.cmpi ne, %sign3A_5, %sign3A_12 : i32
    %rem3A = arith.remsi %arg1, %jit3A : i32
    %ne3A_13 = arith.constant 0 : i32
    %ne3A_14 = arith.cmpi ne, %rem3A, %ne3A_13 : i32
    %and3A = arith.andi %ne3A, %ne3A_14 : i1
    %sub3A = arith.constant 1 : i32
    %sub3A_15 = arith.subi %div3A, %sub3A : i32
    %select_n3A = arith.select %and3A, %sub3A_15, %div3A : i32
    %jit3A_16 = arith.constant 2 : i32
    %eq3A = arith.constant 0 : i32
    %eq3A_17 = arith.cmpi eq, %jit3A_16, %eq3A : i32
    %jit3A_18 = arith.constant 1 : i32
    %select_n3A_19 = arith.select %eq3A_17, %jit3A_18, %jit3A_16 : i32
    %rem3A_20 = arith.remsi %arg1, %select_n3A_19 : i32
    %ne3A_21 = arith.constant 0 : i32
    %ne3A_22 = arith.cmpi ne, %rem3A_20, %ne3A_21 : i32
    %lt3A = arith.constant 0 : i32
    %lt3A_23 = arith.cmpi slt, %rem3A_20, %lt3A : i32
    %lt3A_24 = arith.constant 0 : i32
    %lt3A_25 = arith.cmpi slt, %select_n3A_19, %lt3A_24 : i32
    %ne3A_26 = arith.xori %lt3A_23, %lt3A_25 : i1
    %and3A_27 = arith.andi %ne3A_26, %ne3A_22 : i1
    %add3A = arith.addi %rem3A_20, %select_n3A_19 : i32
    %select_n3A_28 = arith.select %and3A_27, %add3A, %rem3A_20 : i32
    %mul3A = arith.constant 8 : i32
    %mul3A_29 = arith.muli %arg0, %mul3A : i32
    %add3A_30 = arith.addi %mul3A_29, %select_n3A : i32
    %mul3A_31 = arith.constant 20000 : i32
    %mul3A_32 = arith.muli %add3A_30, %mul3A_31 : i32
    %mul3A_33 = arith.constant 4 : i32
    %mul3A_34 = arith.muli %select_n3A_28, %mul3A_33 : i32
    %add3A_35 = arith.constant 0 : i32
    %add3A_36 = arith.addi %mul3A_34, %add3A_35 : i32
    "tpu.region"() ({
      %run_scoped3A = tpu.sem_alloc : memref<!tpu.dma_semaphore, #tpu.memory_space<semaphore_mem>>
      %dma_start3A = arith.constant 0 : i32
      %dma_start3A_99 = tpu.memref_slice %arg2[%add3A_36, %dma_start3A] : memref<16x10000xf32, #tpu.memory_space<hbm>> -> memref<1x10000xf32, #tpu.memory_space<hbm>>
      %dma_start3A_100 = tpu.memref_squeeze %dma_start3A_99 : memref<1x10000xf32, #tpu.memory_space<hbm>> -> memref<10000xf32, #tpu.memory_space<hbm>>
      %dma_start3A_101 = arith.constant 0 : i32
      %dma_start3A_102 = tpu.memref_slice %arg2[%add3A_36, %dma_start3A_101] : memref<16x10000xf32, #tpu.memory_space<hbm>> -> memref<1x10000xf32, #tpu.memory_space<hbm>>
      %dma_start3A_103 = tpu.memref_squeeze %dma_start3A_102 : memref<1x10000xf32, #tpu.memory_space<hbm>> -> memref<10000xf32, #tpu.memory_space<hbm>>
      tpu.enqueue_dma source(%dma_start3A_103 : memref<10000xf32, #tpu.memory_space<hbm>>) target(%arg7 : memref<10000xf32, #tpu.memory_space<vmem>>) target_semaphore(%run_scoped3A : memref<!tpu.dma_semaphore, #tpu.memory_space<semaphore_mem>>)
      %dma_wait3A = arith.constant 0 : i32
      %dma_wait3A_104 = tpu.memref_slice %arg2[%add3A_36, %dma_wait3A] : memref<16x10000xf32, #tpu.memory_space<hbm>> -> memref<1x10000xf32, #tpu.memory_space<hbm>>
      %dma_wait3A_105 = tpu.memref_squeeze %dma_wait3A_104 : memref<1x10000xf32, #tpu.memory_space<hbm>> -> memref<10000xf32, #tpu.memory_space<hbm>>
      %dma_wait3A_106 = arith.constant 0 : i32
      %dma_wait3A_107 = tpu.memref_slice %arg2[%add3A_36, %dma_wait3A_106] : memref<16x10000xf32, #tpu.memory_space<hbm>> -> memref<1x10000xf32, #tpu.memory_space<hbm>>
      %dma_wait3A_108 = tpu.memref_squeeze %dma_wait3A_107 : memref<1x10000xf32, #tpu.memory_space<hbm>> -> memref<10000xf32, #tpu.memory_space<hbm>>
      tpu.wait_dma2 semaphore(%run_scoped3A : memref<!tpu.dma_semaphore, #tpu.memory_space<semaphore_mem>>) src(%dma_wait3A_108 : memref<10000xf32, #tpu.memory_space<hbm>>) dst(%arg7 : memref<10000xf32, #tpu.memory_space<vmem>>)
      tpu.yield
    }) : () -> ()
    %mul3A_37 = arith.constant 4 : i32
    %mul3A_38 = arith.muli %select_n3A_28, %mul3A_37 : i32
    %add3A_39 = arith.constant 8 : i32
    %add3A_40 = arith.addi %add3A_39, %mul3A_38 : i32
    %add3A_41 = arith.constant 0 : i32
    %add3A_42 = arith.addi %add3A_40, %add3A_41 : i32
    "tpu.region"() ({
      %run_scoped3A = tpu.sem_alloc : memref<!tpu.dma_semaphore, #tpu.memory_space<semaphore_mem>>
      %dma_start3A = arith.constant 0 : i32
      %dma_start3A_99 = tpu.memref_slice %arg2[%add3A_42, %dma_start3A] : memref<16x10000xf32, #tpu.memory_space<hbm>> -> memref<1x10000xf32, #tpu.memory_space<hbm>>
      %dma_start3A_100 = tpu.memref_squeeze %dma_start3A_99 : memref<1x10000xf32, #tpu.memory_space<hbm>> -> memref<10000xf32, #tpu.memory_space<hbm>>
      %dma_start3A_101 = arith.constant 0 : i32
      %dma_start3A_102 = tpu.memref_slice %arg2[%add3A_42, %dma_start3A_101] : memref<16x10000xf32, #tpu.memory_space<hbm>> -> memref<1x10000xf32, #tpu.memory_space<hbm>>
      %dma_start3A_103 = tpu.memref_squeeze %dma_start3A_102 : memref<1x10000xf32, #tpu.memory_space<hbm>> -> memref<10000xf32, #tpu.memory_space<hbm>>
      tpu.enqueue_dma source(%dma_start3A_103 : memref<10000xf32, #tpu.memory_space<hbm>>) target(%arg11 : memref<10000xf32, #tpu.memory_space<vmem>>) target_semaphore(%run_scoped3A : memref<!tpu.dma_semaphore, #tpu.memory_space<semaphore_mem>>)
      %dma_wait3A = arith.constant 0 : i32
      %dma_wait3A_104 = tpu.memref_slice %arg2[%add3A_42, %dma_wait3A] : memref<16x10000xf32, #tpu.memory_space<hbm>> -> memref<1x10000xf32, #tpu.memory_space<hbm>>
      %dma_wait3A_105 = tpu.memref_squeeze %dma_wait3A_104 : memref<1x10000xf32, #tpu.memory_space<hbm>> -> memref<10000xf32, #tpu.memory_space<hbm>>
      %dma_wait3A_106 = arith.constant 0 : i32
      %dma_wait3A_107 = tpu.memref_slice %arg2[%add3A_42, %dma_wait3A_106] : memref<16x10000xf32, #tpu.memory_space<hbm>> -> memref<1x10000xf32, #tpu.memory_space<hbm>>
      %dma_wait3A_108 = tpu.memref_squeeze %dma_wait3A_107 : memref<1x10000xf32, #tpu.memory_space<hbm>> -> memref<10000xf32, #tpu.memory_space<hbm>>
      tpu.wait_dma2 semaphore(%run_scoped3A : memref<!tpu.dma_semaphore, #tpu.memory_space<semaphore_mem>>) src(%dma_wait3A_108 : memref<10000xf32, #tpu.memory_space<hbm>>) dst(%arg11 : memref<10000xf32, #tpu.memory_space<vmem>>)
      tpu.yield
    }) : () -> ()
    %mul3A_43 = arith.constant 4 : i32
    %mul3A_44 = arith.muli %select_n3A_28, %mul3A_43 : i32
    %add3A_45 = arith.constant 1 : i32
    %add3A_46 = arith.addi %mul3A_44, %add3A_45 : i32
    "tpu.region"() ({
      %run_scoped3A = tpu.sem_alloc : memref<!tpu.dma_semaphore, #tpu.memory_space<semaphore_mem>>
      %dma_start3A = arith.constant 0 : i32
      %dma_start3A_99 = tpu.memref_slice %arg2[%add3A_46, %dma_start3A] : memref<16x10000xf32, #tpu.memory_space<hbm>> -> memref<1x10000xf32, #tpu.memory_space<hbm>>
      %dma_start3A_100 = tpu.memref_squeeze %dma_start3A_99 : memref<1x10000xf32, #tpu.memory_space<hbm>> -> memref<10000xf32, #tpu.memory_space<hbm>>
      %dma_start3A_101 = arith.constant 0 : i32
      %dma_start3A_102 = tpu.memref_slice %arg2[%add3A_46, %dma_start3A_101] : memref<16x10000xf32, #tpu.memory_space<hbm>> -> memref<1x10000xf32, #tpu.memory_space<hbm>>
      %dma_start3A_103 = tpu.memref_squeeze %dma_start3A_102 : memref<1x10000xf32, #tpu.memory_space<hbm>> -> memref<10000xf32, #tpu.memory_space<hbm>>
      tpu.enqueue_dma source(%dma_start3A_103 : memref<10000xf32, #tpu.memory_space<hbm>>) target(%arg8 : memref<10000xf32, #tpu.memory_space<vmem>>) target_semaphore(%run_scoped3A : memref<!tpu.dma_semaphore, #tpu.memory_space<semaphore_mem>>)
      %dma_wait3A = arith.constant 0 : i32
      %dma_wait3A_104 = tpu.memref_slice %arg2[%add3A_46, %dma_wait3A] : memref<16x10000xf32, #tpu.memory_space<hbm>> -> memref<1x10000xf32, #tpu.memory_space<hbm>>
      %dma_wait3A_105 = tpu.memref_squeeze %dma_wait3A_104 : memref<1x10000xf32, #tpu.memory_space<hbm>> -> memref<10000xf32, #tpu.memory_space<hbm>>
      %dma_wait3A_106 = arith.constant 0 : i32
      %dma_wait3A_107 = tpu.memref_slice %arg2[%add3A_46, %dma_wait3A_106] : memref<16x10000xf32, #tpu.memory_space<hbm>> -> memref<1x10000xf32, #tpu.memory_space<hbm>>
      %dma_wait3A_108 = tpu.memref_squeeze %dma_wait3A_107 : memref<1x10000xf32, #tpu.memory_space<hbm>> -> memref<10000xf32, #tpu.memory_space<hbm>>
      tpu.wait_dma2 semaphore(%run_scoped3A : memref<!tpu.dma_semaphore, #tpu.memory_space<semaphore_mem>>) src(%dma_wait3A_108 : memref<10000xf32, #tpu.memory_space<hbm>>) dst(%arg8 : memref<10000xf32, #tpu.memory_space<vmem>>)
      tpu.yield
    }) : () -> ()
    %mul3A_47 = arith.constant 4 : i32
    %mul3A_48 = arith.muli %select_n3A_28, %mul3A_47 : i32
    %add3A_49 = arith.constant 8 : i32
    %add3A_50 = arith.addi %add3A_49, %mul3A_48 : i32
    %add3A_51 = arith.constant 1 : i32
    %add3A_52 = arith.addi %add3A_50, %add3A_51 : i32
    "tpu.region"() ({
      %run_scoped3A = tpu.sem_alloc : memref<!tpu.dma_semaphore, #tpu.memory_space<semaphore_mem>>
      %dma_start3A = arith.constant 0 : i32
      %dma_start3A_99 = tpu.memref_slice %arg2[%add3A_52, %dma_start3A] : memref<16x10000xf32, #tpu.memory_space<hbm>> -> memref<1x10000xf32, #tpu.memory_space<hbm>>
      %dma_start3A_100 = tpu.memref_squeeze %dma_start3A_99 : memref<1x10000xf32, #tpu.memory_space<hbm>> -> memref<10000xf32, #tpu.memory_space<hbm>>
      %dma_start3A_101 = arith.constant 0 : i32
      %dma_start3A_102 = tpu.memref_slice %arg2[%add3A_52, %dma_start3A_101] : memref<16x10000xf32, #tpu.memory_space<hbm>> -> memref<1x10000xf32, #tpu.memory_space<hbm>>
      %dma_start3A_103 = tpu.memref_squeeze %dma_start3A_102 : memref<1x10000xf32, #tpu.memory_space<hbm>> -> memref<10000xf32, #tpu.memory_space<hbm>>
      tpu.enqueue_dma source(%dma_start3A_103 : memref<10000xf32, #tpu.memory_space<hbm>>) target(%arg12 : memref<10000xf32, #tpu.memory_space<vmem>>) target_semaphore(%run_scoped3A : memref<!tpu.dma_semaphore, #tpu.memory_space<semaphore_mem>>)
      %dma_wait3A = arith.constant 0 : i32
      %dma_wait3A_104 = tpu.memref_slice %arg2[%add3A_52, %dma_wait3A] : memref<16x10000xf32, #tpu.memory_space<hbm>> -> memref<1x10000xf32, #tpu.memory_space<hbm>>
      %dma_wait3A_105 = tpu.memref_squeeze %dma_wait3A_104 : memref<1x10000xf32, #tpu.memory_space<hbm>> -> memref<10000xf32, #tpu.memory_space<hbm>>
      %dma_wait3A_106 = arith.constant 0 : i32
      %dma_wait3A_107 = tpu.memref_slice %arg2[%add3A_52, %dma_wait3A_106] : memref<16x10000xf32, #tpu.memory_space<hbm>> -> memref<1x10000xf32, #tpu.memory_space<hbm>>
      %dma_wait3A_108 = tpu.memref_squeeze %dma_wait3A_107 : memref<1x10000xf32, #tpu.memory_space<hbm>> -> memref<10000xf32, #tpu.memory_space<hbm>>
      tpu.wait_dma2 semaphore(%run_scoped3A : memref<!tpu.dma_semaphore, #tpu.memory_space<semaphore_mem>>) src(%dma_wait3A_108 : memref<10000xf32, #tpu.memory_space<hbm>>) dst(%arg12 : memref<10000xf32, #tpu.memory_space<vmem>>)
      tpu.yield
    }) : () -> ()
    %mul3A_53 = arith.constant 4 : i32
    %mul3A_54 = arith.muli %select_n3A_28, %mul3A_53 : i32
    %add3A_55 = arith.constant 2 : i32
    %add3A_56 = arith.addi %mul3A_54, %add3A_55 : i32
    "tpu.region"() ({
      %run_scoped3A = tpu.sem_alloc : memref<!tpu.dma_semaphore, #tpu.memory_space<semaphore_mem>>
      %dma_start3A = arith.constant 0 : i32
      %dma_start3A_99 = tpu.memref_slice %arg2[%add3A_56, %dma_start3A] : memref<16x10000xf32, #tpu.memory_space<hbm>> -> memref<1x10000xf32, #tpu.memory_space<hbm>>
      %dma_start3A_100 = tpu.memref_squeeze %dma_start3A_99 : memref<1x10000xf32, #tpu.memory_space<hbm>> -> memref<10000xf32, #tpu.memory_space<hbm>>
      %dma_start3A_101 = arith.constant 0 : i32
      %dma_start3A_102 = tpu.memref_slice %arg2[%add3A_56, %dma_start3A_101] : memref<16x10000xf32, #tpu.memory_space<hbm>> -> memref<1x10000xf32, #tpu.memory_space<hbm>>
      %dma_start3A_103 = tpu.memref_squeeze %dma_start3A_102 : memref<1x10000xf32, #tpu.memory_space<hbm>> -> memref<10000xf32, #tpu.memory_space<hbm>>
      tpu.enqueue_dma source(%dma_start3A_103 : memref<10000xf32, #tpu.memory_space<hbm>>) target(%arg9 : memref<10000xf32, #tpu.memory_space<vmem>>) target_semaphore(%run_scoped3A : memref<!tpu.dma_semaphore, #tpu.memory_space<semaphore_mem>>)
      %dma_wait3A = arith.constant 0 : i32
      %dma_wait3A_104 = tpu.memref_slice %arg2[%add3A_56, %dma_wait3A] : memref<16x10000xf32, #tpu.memory_space<hbm>> -> memref<1x10000xf32, #tpu.memory_space<hbm>>
      %dma_wait3A_105 = tpu.memref_squeeze %dma_wait3A_104 : memref<1x10000xf32, #tpu.memory_space<hbm>> -> memref<10000xf32, #tpu.memory_space<hbm>>
      %dma_wait3A_106 = arith.constant 0 : i32
      %dma_wait3A_107 = tpu.memref_slice %arg2[%add3A_56, %dma_wait3A_106] : memref<16x10000xf32, #tpu.memory_space<hbm>> -> memref<1x10000xf32, #tpu.memory_space<hbm>>
      %dma_wait3A_108 = tpu.memref_squeeze %dma_wait3A_107 : memref<1x10000xf32, #tpu.memory_space<hbm>> -> memref<10000xf32, #tpu.memory_space<hbm>>
      tpu.wait_dma2 semaphore(%run_scoped3A : memref<!tpu.dma_semaphore, #tpu.memory_space<semaphore_mem>>) src(%dma_wait3A_108 : memref<10000xf32, #tpu.memory_space<hbm>>) dst(%arg9 : memref<10000xf32, #tpu.memory_space<vmem>>)
      tpu.yield
    }) : () -> ()
    %mul3A_57 = arith.constant 4 : i32
    %mul3A_58 = arith.muli %select_n3A_28, %mul3A_57 : i32
    %add3A_59 = arith.constant 8 : i32
    %add3A_60 = arith.addi %add3A_59, %mul3A_58 : i32
    %add3A_61 = arith.constant 2 : i32
    %add3A_62 = arith.addi %add3A_60, %add3A_61 : i32
    "tpu.region"() ({
      %run_scoped3A = tpu.sem_alloc : memref<!tpu.dma_semaphore, #tpu.memory_space<semaphore_mem>>
      %dma_start3A = arith.constant 0 : i32
      %dma_start3A_99 = tpu.memref_slice %arg2[%add3A_62, %dma_start3A] : memref<16x10000xf32, #tpu.memory_space<hbm>> -> memref<1x10000xf32, #tpu.memory_space<hbm>>
      %dma_start3A_100 = tpu.memref_squeeze %dma_start3A_99 : memref<1x10000xf32, #tpu.memory_space<hbm>> -> memref<10000xf32, #tpu.memory_space<hbm>>
      %dma_start3A_101 = arith.constant 0 : i32
      %dma_start3A_102 = tpu.memref_slice %arg2[%add3A_62, %dma_start3A_101] : memref<16x10000xf32, #tpu.memory_space<hbm>> -> memref<1x10000xf32, #tpu.memory_space<hbm>>
      %dma_start3A_103 = tpu.memref_squeeze %dma_start3A_102 : memref<1x10000xf32, #tpu.memory_space<hbm>> -> memref<10000xf32, #tpu.memory_space<hbm>>
      tpu.enqueue_dma source(%dma_start3A_103 : memref<10000xf32, #tpu.memory_space<hbm>>) target(%arg13 : memref<10000xf32, #tpu.memory_space<vmem>>) target_semaphore(%run_scoped3A : memref<!tpu.dma_semaphore, #tpu.memory_space<semaphore_mem>>)
      %dma_wait3A = arith.constant 0 : i32
      %dma_wait3A_104 = tpu.memref_slice %arg2[%add3A_62, %dma_wait3A] : memref<16x10000xf32, #tpu.memory_space<hbm>> -> memref<1x10000xf32, #tpu.memory_space<hbm>>
      %dma_wait3A_105 = tpu.memref_squeeze %dma_wait3A_104 : memref<1x10000xf32, #tpu.memory_space<hbm>> -> memref<10000xf32, #tpu.memory_space<hbm>>
      %dma_wait3A_106 = arith.constant 0 : i32
      %dma_wait3A_107 = tpu.memref_slice %arg2[%add3A_62, %dma_wait3A_106] : memref<16x10000xf32, #tpu.memory_space<hbm>> -> memref<1x10000xf32, #tpu.memory_space<hbm>>
      %dma_wait3A_108 = tpu.memref_squeeze %dma_wait3A_107 : memref<1x10000xf32, #tpu.memory_space<hbm>> -> memref<10000xf32, #tpu.memory_space<hbm>>
      tpu.wait_dma2 semaphore(%run_scoped3A : memref<!tpu.dma_semaphore, #tpu.memory_space<semaphore_mem>>) src(%dma_wait3A_108 : memref<10000xf32, #tpu.memory_space<hbm>>) dst(%arg13 : memref<10000xf32, #tpu.memory_space<vmem>>)
      tpu.yield
    }) : () -> ()
    %mul3A_63 = arith.constant 4 : i32
    %mul3A_64 = arith.muli %select_n3A_28, %mul3A_63 : i32
    %add3A_65 = arith.constant 3 : i32
    %add3A_66 = arith.addi %mul3A_64, %add3A_65 : i32
    "tpu.region"() ({
      %run_scoped3A = tpu.sem_alloc : memref<!tpu.dma_semaphore, #tpu.memory_space<semaphore_mem>>
      %dma_start3A = arith.constant 0 : i32
      %dma_start3A_99 = tpu.memref_slice %arg2[%add3A_66, %dma_start3A] : memref<16x10000xf32, #tpu.memory_space<hbm>> -> memref<1x10000xf32, #tpu.memory_space<hbm>>
      %dma_start3A_100 = tpu.memref_squeeze %dma_start3A_99 : memref<1x10000xf32, #tpu.memory_space<hbm>> -> memref<10000xf32, #tpu.memory_space<hbm>>
      %dma_start3A_101 = arith.constant 0 : i32
      %dma_start3A_102 = tpu.memref_slice %arg2[%add3A_66, %dma_start3A_101] : memref<16x10000xf32, #tpu.memory_space<hbm>> -> memref<1x10000xf32, #tpu.memory_space<hbm>>
      %dma_start3A_103 = tpu.memref_squeeze %dma_start3A_102 : memref<1x10000xf32, #tpu.memory_space<hbm>> -> memref<10000xf32, #tpu.memory_space<hbm>>
      tpu.enqueue_dma source(%dma_start3A_103 : memref<10000xf32, #tpu.memory_space<hbm>>) target(%arg10 : memref<10000xf32, #tpu.memory_space<vmem>>) target_semaphore(%run_scoped3A : memref<!tpu.dma_semaphore, #tpu.memory_space<semaphore_mem>>)
      %dma_wait3A = arith.constant 0 : i32
      %dma_wait3A_104 = tpu.memref_slice %arg2[%add3A_66, %dma_wait3A] : memref<16x10000xf32, #tpu.memory_space<hbm>> -> memref<1x10000xf32, #tpu.memory_space<hbm>>
      %dma_wait3A_105 = tpu.memref_squeeze %dma_wait3A_104 : memref<1x10000xf32, #tpu.memory_space<hbm>> -> memref<10000xf32, #tpu.memory_space<hbm>>
      %dma_wait3A_106 = arith.constant 0 : i32
      %dma_wait3A_107 = tpu.memref_slice %arg2[%add3A_66, %dma_wait3A_106] : memref<16x10000xf32, #tpu.memory_space<hbm>> -> memref<1x10000xf32, #tpu.memory_space<hbm>>
      %dma_wait3A_108 = tpu.memref_squeeze %dma_wait3A_107 : memref<1x10000xf32, #tpu.memory_space<hbm>> -> memref<10000xf32, #tpu.memory_space<hbm>>
      tpu.wait_dma2 semaphore(%run_scoped3A : memref<!tpu.dma_semaphore, #tpu.memory_space<semaphore_mem>>) src(%dma_wait3A_108 : memref<10000xf32, #tpu.memory_space<hbm>>) dst(%arg10 : memref<10000xf32, #tpu.memory_space<vmem>>)
      tpu.yield
    }) : () -> ()
    %mul3A_67 = arith.constant 4 : i32
    %mul3A_68 = arith.muli %select_n3A_28, %mul3A_67 : i32
    %add3A_69 = arith.constant 8 : i32
    %add3A_70 = arith.addi %add3A_69, %mul3A_68 : i32
    %add3A_71 = arith.constant 3 : i32
    %add3A_72 = arith.addi %add3A_70, %add3A_71 : i32
    "tpu.region"() ({
      %run_scoped3A = tpu.sem_alloc : memref<!tpu.dma_semaphore, #tpu.memory_space<semaphore_mem>>
      %dma_start3A = arith.constant 0 : i32
      %dma_start3A_99 = tpu.memref_slice %arg2[%add3A_72, %dma_start3A] : memref<16x10000xf32, #tpu.memory_space<hbm>> -> memref<1x10000xf32, #tpu.memory_space<hbm>>
      %dma_start3A_100 = tpu.memref_squeeze %dma_start3A_99 : memref<1x10000xf32, #tpu.memory_space<hbm>> -> memref<10000xf32, #tpu.memory_space<hbm>>
      %dma_start3A_101 = arith.constant 0 : i32
      %dma_start3A_102 = tpu.memref_slice %arg2[%add3A_72, %dma_start3A_101] : memref<16x10000xf32, #tpu.memory_space<hbm>> -> memref<1x10000xf32, #tpu.memory_space<hbm>>
      %dma_start3A_103 = tpu.memref_squeeze %dma_start3A_102 : memref<1x10000xf32, #tpu.memory_space<hbm>> -> memref<10000xf32, #tpu.memory_space<hbm>>
      tpu.enqueue_dma source(%dma_start3A_103 : memref<10000xf32, #tpu.memory_space<hbm>>) target(%arg14 : memref<10000xf32, #tpu.memory_space<vmem>>) target_semaphore(%run_scoped3A : memref<!tpu.dma_semaphore, #tpu.memory_space<semaphore_mem>>)
      %dma_wait3A = arith.constant 0 : i32
      %dma_wait3A_104 = tpu.memref_slice %arg2[%add3A_72, %dma_wait3A] : memref<16x10000xf32, #tpu.memory_space<hbm>> -> memref<1x10000xf32, #tpu.memory_space<hbm>>
      %dma_wait3A_105 = tpu.memref_squeeze %dma_wait3A_104 : memref<1x10000xf32, #tpu.memory_space<hbm>> -> memref<10000xf32, #tpu.memory_space<hbm>>
      %dma_wait3A_106 = arith.constant 0 : i32
      %dma_wait3A_107 = tpu.memref_slice %arg2[%add3A_72, %dma_wait3A_106] : memref<16x10000xf32, #tpu.memory_space<hbm>> -> memref<1x10000xf32, #tpu.memory_space<hbm>>
      %dma_wait3A_108 = tpu.memref_squeeze %dma_wait3A_107 : memref<1x10000xf32, #tpu.memory_space<hbm>> -> memref<10000xf32, #tpu.memory_space<hbm>>
      tpu.wait_dma2 semaphore(%run_scoped3A : memref<!tpu.dma_semaphore, #tpu.memory_space<semaphore_mem>>) src(%dma_wait3A_108 : memref<10000xf32, #tpu.memory_space<hbm>>) dst(%arg14 : memref<10000xf32, #tpu.memory_space<vmem>>)
      tpu.yield
    }) : () -> ()
    %mul3A_73 = arith.constant 4 : i32
    %mul3A_74 = arith.muli %select_n3A_28, %mul3A_73 : i32
    "tpu.region"() ({
      %run_scoped3A = tpu.sem_alloc : memref<!tpu.dma_semaphore, #tpu.memory_space<semaphore_mem>>
      %dma_start3A = arith.constant 0 : i32
      %dma_start3A_99 = tpu.memref_slice %arg5[%mul3A_74, %dma_start3A] : memref<8x16xf32, #tpu.memory_space<hbm>> -> memref<4x16xf32, #tpu.memory_space<hbm>>
      %dma_start3A_100 = arith.constant 0 : i32
      %dma_start3A_101 = tpu.memref_slice %arg5[%mul3A_74, %dma_start3A_100] : memref<8x16xf32, #tpu.memory_space<hbm>> -> memref<4x16xf32, #tpu.memory_space<hbm>>
      tpu.enqueue_dma source(%dma_start3A_101 : memref<4x16xf32, #tpu.memory_space<hbm>>) target(%arg19 : memref<4x16xf32, #tpu.memory_space<vmem>>) target_semaphore(%run_scoped3A : memref<!tpu.dma_semaphore, #tpu.memory_space<semaphore_mem>>)
      %dma_wait3A = arith.constant 0 : i32
      %dma_wait3A_102 = tpu.memref_slice %arg5[%mul3A_74, %dma_wait3A] : memref<8x16xf32, #tpu.memory_space<hbm>> -> memref<4x16xf32, #tpu.memory_space<hbm>>
      %dma_wait3A_103 = arith.constant 0 : i32
      %dma_wait3A_104 = tpu.memref_slice %arg5[%mul3A_74, %dma_wait3A_103] : memref<8x16xf32, #tpu.memory_space<hbm>> -> memref<4x16xf32, #tpu.memory_space<hbm>>
      tpu.wait_dma2 semaphore(%run_scoped3A : memref<!tpu.dma_semaphore, #tpu.memory_space<semaphore_mem>>) src(%dma_wait3A_104 : memref<4x16xf32, #tpu.memory_space<hbm>>) dst(%arg19 : memref<4x16xf32, #tpu.memory_space<vmem>>)
      tpu.yield
    }) : () -> ()
    %get3A = arith.constant 0 : i32
    %get3A_75 = arith.index_cast %get3A : i32 to index
    %get3A_76 = arith.constant 0 : index
    %get3A_77 = tpu.vector_load %arg19[%get3A_75, %get3A_76] {strides = array<i32>} : memref<4x16xf32, #tpu.memory_space<vmem>>, vector<16xf32>,
    %get3A_78 = arith.constant 1 : i32
    %get3A_79 = arith.index_cast %get3A_78 : i32 to index
    %get3A_80 = arith.constant 0 : index
    %get3A_81 = tpu.vector_load %arg19[%get3A_79, %get3A_80] {strides = array<i32>} : memref<4x16xf32, #tpu.memory_space<vmem>>, vector<16xf32>,
    %get3A_82 = arith.constant 2 : i32
    %get3A_83 = arith.index_cast %get3A_82 : i32 to index
    %get3A_84 = arith.constant 0 : index
    %get3A_85 = tpu.vector_load %arg19[%get3A_83, %get3A_84] {strides = array<i32>} : memref<4x16xf32, #tpu.memory_space<vmem>>, vector<16xf32>,
    %get3A_86 = arith.constant 3 : i32
    %get3A_87 = arith.index_cast %get3A_86 : i32 to index
    %get3A_88 = arith.constant 0 : index
    %get3A_89 = tpu.vector_load %arg19[%get3A_87, %get3A_88] {strides = array<i32>} : memref<4x16xf32, #tpu.memory_space<vmem>>, vector<16xf32>,
    %broadcast_in_dim3A = arith.constant 0.000000e+00 : f32
    %broadcast_in_dim3A_90 = vector.broadcast %broadcast_in_dim3A : f32 to vector<16xf32>
    %iota3A = tpu.iota {dimensions = array<i32: 0>} : vector<16xi32>
    %mul3A_91 = arith.constant 8 : i32
    %mul3A_92 = vector.broadcast %mul3A_91 : i32 to vector<16xi32>
    %mul3A_93 = arith.muli %iota3A, %mul3A_92 : vector<16xi32>
    %scan3A = arith.constant 0 : i32
    %scan3A_94 = arith.constant 0 : i32
    %scan3A_95 = arith.constant 5 : i32
    %scan3A_96 = arith.addi %scan3A_94, %scan3A_95 : i32
    %scan3A_97 = arith.constant 1 : i32
    scf.for %scan3A_99 = %scan3A_94 to %scan3A_96 step %scan3A_97  : i32 {
      %mul3A_100 = arith.constant 4000 : i32
      %mul3A_101 = arith.muli %scan3A_99, %mul3A_100 : i32
      %add3A_102 = arith.addi %mul3A_32, %mul3A_101 : i32
      "tpu.region"() ({
        %run_scoped3A = tpu.sem_alloc : memref<!tpu.dma_semaphore, #tpu.memory_space<semaphore_mem>>
        %dma_start3A = tpu.memref_slice %arg3[%add3A_102] : memref<640000xi32, #tpu.memory_space<hbm>> -> memref<4000xi32, #tpu.memory_space<hbm>>
        %dma_start3A_112 = tpu.memref_slice %arg3[%add3A_102] : memref<640000xi32, #tpu.memory_space<hbm>> -> memref<4000xi32, #tpu.memory_space<hbm>>
        tpu.enqueue_dma source(%dma_start3A_112 : memref<4000xi32, #tpu.memory_space<hbm>>) target(%arg15 : memref<4000xi32, #tpu.memory_space<vmem>>) target_semaphore(%run_scoped3A : memref<!tpu.dma_semaphore, #tpu.memory_space<semaphore_mem>>)
        %dma_wait3A = tpu.memref_slice %arg3[%add3A_102] : memref<640000xi32, #tpu.memory_space<hbm>> -> memref<4000xi32, #tpu.memory_space<hbm>>
        %dma_wait3A_113 = tpu.memref_slice %arg3[%add3A_102] : memref<640000xi32, #tpu.memory_space<hbm>> -> memref<4000xi32, #tpu.memory_space<hbm>>
        tpu.wait_dma2 semaphore(%run_scoped3A : memref<!tpu.dma_semaphore, #tpu.memory_space<semaphore_mem>>) src(%dma_wait3A_113 : memref<4000xi32, #tpu.memory_space<hbm>>) dst(%arg15 : memref<4000xi32, #tpu.memory_space<vmem>>)
        tpu.yield
      }) : () -> ()
      %add3A_103 = arith.constant 320000 : i32
      %add3A_104 = arith.addi %add3A_103, %add3A_102 : i32
      "tpu.region"() ({
        %run_scoped3A = tpu.sem_alloc : memref<!tpu.dma_semaphore, #tpu.memory_space<semaphore_mem>>
        %dma_start3A = tpu.memref_slice %arg3[%add3A_104] : memref<640000xi32, #tpu.memory_space<hbm>> -> memref<4000xi32, #tpu.memory_space<hbm>>
        %dma_start3A_112 = tpu.memref_slice %arg3[%add3A_104] : memref<640000xi32, #tpu.memory_space<hbm>> -> memref<4000xi32, #tpu.memory_space<hbm>>
        tpu.enqueue_dma source(%dma_start3A_112 : memref<4000xi32, #tpu.memory_space<hbm>>) target(%arg16 : memref<4000xi32, #tpu.memory_space<vmem>>) target_semaphore(%run_scoped3A : memref<!tpu.dma_semaphore, #tpu.memory_space<semaphore_mem>>)
        %dma_wait3A = tpu.memref_slice %arg3[%add3A_104] : memref<640000xi32, #tpu.memory_space<hbm>> -> memref<4000xi32, #tpu.memory_space<hbm>>
        %dma_wait3A_113 = tpu.memref_slice %arg3[%add3A_104] : memref<640000xi32, #tpu.memory_space<hbm>> -> memref<4000xi32, #tpu.memory_space<hbm>>
        tpu.wait_dma2 semaphore(%run_scoped3A : memref<!tpu.dma_semaphore, #tpu.memory_space<semaphore_mem>>) src(%dma_wait3A_113 : memref<4000xi32, #tpu.memory_space<hbm>>) dst(%arg16 : memref<4000xi32, #tpu.memory_space<vmem>>)
        tpu.yield
      }) : () -> ()
      %mul3A_105 = arith.constant 8 : i32
      %mul3A_106 = arith.muli %add3A_102, %mul3A_105 : i32
      "tpu.region"() ({
        %run_scoped3A = tpu.sem_alloc : memref<!tpu.dma_semaphore, #tpu.memory_space<semaphore_mem>>
        %dma_start3A = tpu.memref_slice %arg4[%mul3A_106] : memref<2560000xf32, #tpu.memory_space<hbm>> -> memref<32000xf32, #tpu.memory_space<hbm>>
        %dma_start3A_112 = tpu.memref_slice %arg4[%mul3A_106] : memref<2560000xf32, #tpu.memory_space<hbm>> -> memref<32000xf32, #tpu.memory_space<hbm>>
        tpu.enqueue_dma source(%dma_start3A_112 : memref<32000xf32, #tpu.memory_space<hbm>>) target(%arg17 : memref<32000xf32, #tpu.memory_space<vmem>>) target_semaphore(%run_scoped3A : memref<!tpu.dma_semaphore, #tpu.memory_space<semaphore_mem>>)
        %dma_wait3A = tpu.memref_slice %arg4[%mul3A_106] : memref<2560000xf32, #tpu.memory_space<hbm>> -> memref<32000xf32, #tpu.memory_space<hbm>>
        %dma_wait3A_113 = tpu.memref_slice %arg4[%mul3A_106] : memref<2560000xf32, #tpu.memory_space<hbm>> -> memref<32000xf32, #tpu.memory_space<hbm>>
        tpu.wait_dma2 semaphore(%run_scoped3A : memref<!tpu.dma_semaphore, #tpu.memory_space<semaphore_mem>>) src(%dma_wait3A_113 : memref<32000xf32, #tpu.memory_space<hbm>>) dst(%arg17 : memref<32000xf32, #tpu.memory_space<vmem>>)
        tpu.yield
      }) : () -> ()
      %parallel_loop3A = arith.constant 0 : i32
      %parallel_loop3A_107 = arith.constant 250 : i32
      %parallel_loop3A_108 = arith.constant 1 : i32
      scf.for %parallel_loop3A_112 = %parallel_loop3A to %parallel_loop3A_107 step %parallel_loop3A_108  : i32 {
        %parallel_loop3A_113 = arith.constant 16 : i32
        %parallel_loop3A_114 = arith.muli %parallel_loop3A_112, %parallel_loop3A_113 : i32
        %parallel_loop3A_115 = arith.index_cast %parallel_loop3A_114 : i32 to index
        %parallel_loop3A_116 = tpu.vector_load %arg15[%parallel_loop3A_115] {strides = array<i32>} : memref<4000xi32, #tpu.memory_space<vmem>>, vector<16xi32>,
        %parallel_loop3A_117 = arith.constant 16 : i32
        %parallel_loop3A_118 = arith.muli %parallel_loop3A_112, %parallel_loop3A_117 : i32
        %parallel_loop3A_119 = arith.index_cast %parallel_loop3A_118 : i32 to index
        %parallel_loop3A_120 = tpu.vector_load %arg16[%parallel_loop3A_119] {strides = array<i32>} : memref<4000xi32, #tpu.memory_space<vmem>>, vector<16xi32>,
        %parallel_loop3A_121 = arith.constant 128 : i32
        %parallel_loop3A_122 = arith.muli %parallel_loop3A_112, %parallel_loop3A_121 : i32
        %parallel_loop3A_123 = vector.broadcast %parallel_loop3A_122 : i32 to vector<16xi32>
        %parallel_loop3A_124 = arith.addi %mul3A_93, %parallel_loop3A_123 : vector<16xi32>
        %parallel_loop3A_125 = arith.constant 4 : i32
        %parallel_loop3A_126 = arith.muli %select_n3A_28, %parallel_loop3A_125 : i32
        %parallel_loop3A_127 = vector.broadcast %parallel_loop3A_126 : i32 to vector<16xi32>
        %parallel_loop3A_128 = arith.addi %parallel_loop3A_124, %parallel_loop3A_127 : vector<16xi32>
        %parallel_loop3A_129 = tpu.vector_load_idx %arg7[%parallel_loop3A_116] : memref<10000xf32, #tpu.memory_space<vmem>>[vector<16xi32>], vector<16xf32>,
        %parallel_loop3A_130 = tpu.vector_load_idx %arg11[%parallel_loop3A_120] : memref<10000xf32, #tpu.memory_space<vmem>>[vector<16xi32>], vector<16xf32>,
        %parallel_loop3A_131 = arith.constant 0 : i32
        %parallel_loop3A_132 = vector.broadcast %parallel_loop3A_131 : i32 to vector<16xi32>
        %parallel_loop3A_133 = arith.addi %parallel_loop3A_128, %parallel_loop3A_132 : vector<16xi32>
        %parallel_loop3A_134 = tpu.vector_load_idx %arg17[%parallel_loop3A_133] : memref<32000xf32, #tpu.memory_space<vmem>>[vector<16xi32>], vector<16xf32>,
        %parallel_loop3A_135 = arith.addf %parallel_loop3A_129, %parallel_loop3A_130 : vector<16xf32>
        %parallel_loop3A_136 = arith.addf %parallel_loop3A_135, %parallel_loop3A_134 : vector<16xf32>
        %parallel_loop3A_137 = arith.constant 0.000000e+00 : f32
        %parallel_loop3A_138 = vector.broadcast %parallel_loop3A_137 : f32 to vector<16xf32>
        %parallel_loop3A_139 = arith.maximumf %parallel_loop3A_136, %parallel_loop3A_138 : vector<16xf32>
        %parallel_loop3A_140 = arith.mulf %parallel_loop3A_139, %get3A_77 : vector<16xf32>
        %parallel_loop3A_141 = arith.addf %broadcast_in_dim3A_90, %parallel_loop3A_140 : vector<16xf32>
        %parallel_loop3A_142 = tpu.vector_load_idx %arg8[%parallel_loop3A_116] : memref<10000xf32, #tpu.memory_space<vmem>>[vector<16xi32>], vector<16xf32>,
        %parallel_loop3A_143 = tpu.vector_load_idx %arg12[%parallel_loop3A_120] : memref<10000xf32, #tpu.memory_space<vmem>>[vector<16xi32>], vector<16xf32>,
        %parallel_loop3A_144 = arith.constant 1 : i32
        %parallel_loop3A_145 = vector.broadcast %parallel_loop3A_144 : i32 to vector<16xi32>
        %parallel_loop3A_146 = arith.addi %parallel_loop3A_128, %parallel_loop3A_145 : vector<16xi32>
        %parallel_loop3A_147 = tpu.vector_load_idx %arg17[%parallel_loop3A_146] : memref<32000xf32, #tpu.memory_space<vmem>>[vector<16xi32>], vector<16xf32>,
        %parallel_loop3A_148 = arith.addf %parallel_loop3A_142, %parallel_loop3A_143 : vector<16xf32>
        %parallel_loop3A_149 = arith.addf %parallel_loop3A_148, %parallel_loop3A_147 : vector<16xf32>
        %parallel_loop3A_150 = arith.constant 0.000000e+00 : f32
        %parallel_loop3A_151 = vector.broadcast %parallel_loop3A_150 : f32 to vector<16xf32>
        %parallel_loop3A_152 = arith.maximumf %parallel_loop3A_149, %parallel_loop3A_151 : vector<16xf32>
        %parallel_loop3A_153 = arith.mulf %parallel_loop3A_152, %get3A_81 : vector<16xf32>
        %parallel_loop3A_154 = arith.addf %parallel_loop3A_141, %parallel_loop3A_153 : vector<16xf32>
        %parallel_loop3A_155 = tpu.vector_load_idx %arg9[%parallel_loop3A_116] : memref<10000xf32, #tpu.memory_space<vmem>>[vector<16xi32>], vector<16xf32>,
        %parallel_loop3A_156 = tpu.vector_load_idx %arg13[%parallel_loop3A_120] : memref<10000xf32, #tpu.memory_space<vmem>>[vector<16xi32>], vector<16xf32>,
        %parallel_loop3A_157 = arith.constant 2 : i32
        %parallel_loop3A_158 = vector.broadcast %parallel_loop3A_157 : i32 to vector<16xi32>
        %parallel_loop3A_159 = arith.addi %parallel_loop3A_128, %parallel_loop3A_158 : vector<16xi32>
        %parallel_loop3A_160 = tpu.vector_load_idx %arg17[%parallel_loop3A_159] : memref<32000xf32, #tpu.memory_space<vmem>>[vector<16xi32>], vector<16xf32>,
        %parallel_loop3A_161 = arith.addf %parallel_loop3A_155, %parallel_loop3A_156 : vector<16xf32>
        %parallel_loop3A_162 = arith.addf %parallel_loop3A_161, %parallel_loop3A_160 : vector<16xf32>
        %parallel_loop3A_163 = arith.constant 0.000000e+00 : f32
        %parallel_loop3A_164 = vector.broadcast %parallel_loop3A_163 : f32 to vector<16xf32>
        %parallel_loop3A_165 = arith.maximumf %parallel_loop3A_162, %parallel_loop3A_164 : vector<16xf32>
        %parallel_loop3A_166 = arith.mulf %parallel_loop3A_165, %get3A_85 : vector<16xf32>
        %parallel_loop3A_167 = arith.addf %parallel_loop3A_154, %parallel_loop3A_166 : vector<16xf32>
        %parallel_loop3A_168 = tpu.vector_load_idx %arg10[%parallel_loop3A_116] : memref<10000xf32, #tpu.memory_space<vmem>>[vector<16xi32>], vector<16xf32>,
        %parallel_loop3A_169 = tpu.vector_load_idx %arg14[%parallel_loop3A_120] : memref<10000xf32, #tpu.memory_space<vmem>>[vector<16xi32>], vector<16xf32>,
        %parallel_loop3A_170 = arith.constant 3 : i32
        %parallel_loop3A_171 = vector.broadcast %parallel_loop3A_170 : i32 to vector<16xi32>
        %parallel_loop3A_172 = arith.addi %parallel_loop3A_128, %parallel_loop3A_171 : vector<16xi32>
        %parallel_loop3A_173 = tpu.vector_load_idx %arg17[%parallel_loop3A_172] : memref<32000xf32, #tpu.memory_space<vmem>>[vector<16xi32>], vector<16xf32>,
        %parallel_loop3A_174 = arith.addf %parallel_loop3A_168, %parallel_loop3A_169 : vector<16xf32>
        %parallel_loop3A_175 = arith.addf %parallel_loop3A_174, %parallel_loop3A_173 : vector<16xf32>
        %parallel_loop3A_176 = arith.constant 0.000000e+00 : f32
        %parallel_loop3A_177 = vector.broadcast %parallel_loop3A_176 : f32 to vector<16xf32>
        %parallel_loop3A_178 = arith.maximumf %parallel_loop3A_175, %parallel_loop3A_177 : vector<16xf32>
        %parallel_loop3A_179 = arith.mulf %parallel_loop3A_178, %get3A_89 : vector<16xf32>
        %parallel_loop3A_180 = arith.addf %parallel_loop3A_167, %parallel_loop3A_179 : vector<16xf32>
        %parallel_loop3A_181 = arith.constant 16 : i32
        %parallel_loop3A_182 = arith.muli %parallel_loop3A_112, %parallel_loop3A_181 : i32
        %parallel_loop3A_183 = arith.index_cast %parallel_loop3A_182 : i32 to index
        %parallel_loop3A_184 = tpu.vector_load %arg18[%parallel_loop3A_183] {strides = array<i32>} : memref<4000xf32, #tpu.memory_space<vmem>>, vector<16xf32>,
        tpu.vector_store %arg18[%parallel_loop3A_183], %parallel_loop3A_180 {strides = array<i32>} : memref<4000xf32, #tpu.memory_space<vmem>>, vector<16xf32>,
      } {sc.loop_unroll_factor = 4 : i64, sc.parallel_access}
      %mul3A_109 = arith.constant 320000 : i32
      %mul3A_110 = arith.muli %select_n3A_28, %mul3A_109 : i32
      %add3A_111 = arith.addi %mul3A_110, %add3A_102 : i32
      "tpu.region"() ({
        %run_scoped3A = tpu.sem_alloc : memref<!tpu.dma_semaphore, #tpu.memory_space<semaphore_mem>>
        %dma_start3A = tpu.memref_slice %arg6[%add3A_111] : memref<640000xf32, #tpu.memory_space<hbm>> -> memref<4000xf32, #tpu.memory_space<hbm>>
        %dma_start3A_112 = tpu.memref_slice %arg6[%add3A_111] : memref<640000xf32, #tpu.memory_space<hbm>> -> memref<4000xf32, #tpu.memory_space<hbm>>
        tpu.enqueue_dma source(%arg18 : memref<4000xf32, #tpu.memory_space<vmem>>) target(%dma_start3A_112 : memref<4000xf32, #tpu.memory_space<hbm>>) target_semaphore(%run_scoped3A : memref<!tpu.dma_semaphore, #tpu.memory_space<semaphore_mem>>)
        %dma_wait3A = tpu.memref_slice %arg6[%add3A_111] : memref<640000xf32, #tpu.memory_space<hbm>> -> memref<4000xf32, #tpu.memory_space<hbm>>
        %dma_wait3A_113 = tpu.memref_slice %arg6[%add3A_111] : memref<640000xf32, #tpu.memory_space<hbm>> -> memref<4000xf32, #tpu.memory_space<hbm>>
        tpu.wait_dma2 semaphore(%run_scoped3A : memref<!tpu.dma_semaphore, #tpu.memory_space<semaphore_mem>>) src(%arg18 : memref<4000xf32, #tpu.memory_space<vmem>>) dst(%dma_wait3A_113 : memref<4000xf32, #tpu.memory_space<hbm>>)
        tpu.yield
      }) : () -> ()
    }
    %scan3A_98 = arith.constant 5 : i32
    return
  }
}

module attributes {stable_mosaic.version = 14 : i64} {
  func.func @_mm_c_body(%arg0: i32, %arg1: memref<4000x128xf32, #tpu.memory_space<vmem>>, %arg2: memref<128x64xf32, #tpu.memory_space<vmem>>, %arg3: memref<1x64xf32, #tpu.memory_space<vmem>>, %arg4: memref<4000x64xf32, #tpu.memory_space<vmem>>) attributes {dimension_semantics = [#tpu.dimension_semantics<arbitrary>], iteration_bounds = array<i64: 10>, scalar_prefetch = 0 : i64, scratch_operands = 0 : i64, tpu.core_type = #tpu.core_type<tc>, window_params = [{transform_indices = @transform_0, window_bounds = array<i64: 4000, 128>}, {pipeline_mode = #tpu.pipeline_mode<synchronous>, transform_indices = @transform_1, window_bounds = array<i64: 128, 64>}, {pipeline_mode = #tpu.pipeline_mode<synchronous>, transform_indices = @transform_2, window_bounds = array<i64: 1, 64>}, {transform_indices = @transform_3, window_bounds = array<i64: 4000, 64>}]} {
    %get3A = arith.constant 0 : index
    %get3A_0 = arith.constant 0 : index
    %get3A_1 = vector.load %arg1[%get3A, %get3A_0] : memref<4000x128xf32, #tpu.memory_space<vmem>>, vector<4000x128xf32>
    %get3A_2 = arith.constant 0 : index
    %get3A_3 = arith.constant 0 : index
    %get3A_4 = vector.load %arg2[%get3A_2, %get3A_3] : memref<128x64xf32, #tpu.memory_space<vmem>>, vector<128x64xf32>
    %dot_general3A = arith.constant dense<0.000000e+00> : vector<4000x64xf32>
    %dot_general3A_5 = tpu.matmul %get3A_1, %get3A_4, %dot_general3A {dimension_numbers = #tpu.dot_dimension_numbers<[1], [0], [0], [1], [0, 0, 1, 1], [], []>, precision = #tpu.contract_precision<fp32>, transpose_lhs_hint = false} : vector<4000x128xf32>, vector<128x64xf32>, vector<4000x64xf32> -> vector<4000x64xf32>
    %get3A_6 = arith.constant 0 : index
    %get3A_7 = arith.constant 0 : index
    %get3A_8 = vector.load %arg3[%get3A_6, %get3A_7] : memref<1x64xf32, #tpu.memory_space<vmem>>, vector<1x64xf32>
    %add3A = vector.broadcast %get3A_8 : vector<1x64xf32> to vector<4000x64xf32>
    %add3A_9 = arith.addf %dot_general3A_5, %add3A : vector<4000x64xf32>
    %swap3A = arith.constant 0 : index
    %swap3A_10 = arith.constant 0 : index
    %swap3A_11 = vector.load %arg4[%swap3A, %swap3A_10] : memref<4000x64xf32, #tpu.memory_space<vmem>>, vector<4000x64xf32>
    tpu.vector_store %arg4[%swap3A, %swap3A_10], %add3A_9 {strides = array<i32>} : memref<4000x64xf32, #tpu.memory_space<vmem>>, vector<4000x64xf32>,
    return
  }
  func.func @transform_0(%arg0: i32) -> (i32, i32) {
    %c0_i32 = arith.constant 0 : i32
    %c0_i32_0 = arith.constant 0 : i32
    return %arg0, %c0_i32 : i32, i32
  }
  func.func @transform_1(%arg0: i32) -> (i32, i32) {
    %c0_i32 = arith.constant 0 : i32
    %c0_i32_0 = arith.constant 0 : i32
    %c0_i32_1 = arith.constant 0 : i32
    return %c0_i32, %c0_i32_0 : i32, i32
  }
  func.func @transform_2(%arg0: i32) -> (i32, i32) {
    %c0_i32 = arith.constant 0 : i32
    %c0_i32_0 = arith.constant 0 : i32
    %c0_i32_1 = arith.constant 0 : i32
    return %c0_i32, %c0_i32_0 : i32, i32
  }
  func.func @transform_3(%arg0: i32) -> (i32, i32) {
    %c0_i32 = arith.constant 0 : i32
    %c0_i32_0 = arith.constant 0 : i32
    return %arg0, %c0_i32 : i32, i32
  }
}

module attributes {stable_mosaic.version = 14 : i64} {
  func.func @_mm_abt_body(%arg0: memref<10000x128xf32, #tpu.memory_space<vmem>>, %arg1: memref<128x16xf32, #tpu.memory_space<vmem>>, %arg2: memref<16x10000xf32, #tpu.memory_space<vmem>>) attributes {dimension_semantics = [], scalar_prefetch = 0 : i64, scratch_operands = 0 : i64, tpu.core_type = #tpu.core_type<tc>} {
    %get3A = arith.constant 0 : index
    %get3A_0 = arith.constant 0 : index
    %get3A_1 = vector.load %arg1[%get3A, %get3A_0] : memref<128x16xf32, #tpu.memory_space<vmem>>, vector<128x16xf32>
    %get3A_2 = arith.constant 0 : index
    %get3A_3 = arith.constant 0 : index
    %get3A_4 = vector.load %arg0[%get3A_2, %get3A_3] : memref<10000x128xf32, #tpu.memory_space<vmem>>, vector<10000x128xf32>
    %dot_general3A = arith.constant dense<0.000000e+00> : vector<16x10000xf32>
    %dot_general3A_5 = tpu.matmul %get3A_1, %get3A_4, %dot_general3A {dimension_numbers = #tpu.dot_dimension_numbers<[0], [1], [1], [0], [0, 1, 1, 0], [], []>, precision = #tpu.contract_precision<fp32>, transpose_lhs_hint = false} : vector<128x16xf32>, vector<10000x128xf32>, vector<16x10000xf32> -> vector<16x10000xf32>
    %swap3A = arith.constant 0 : index
    %swap3A_6 = arith.constant 0 : index
    %swap3A_7 = vector.load %arg2[%swap3A, %swap3A_6] : memref<16x10000xf32, #tpu.memory_space<vmem>>, vector<16x10000xf32>
    tpu.vector_store %arg2[%swap3A, %swap3A_6], %dot_general3A_5 {strides = array<i32>} : memref<16x10000xf32, #tpu.memory_space<vmem>>, vector<16x10000xf32>,
    return
  }
}

module attributes {stable_mosaic.version = 14 : i64} {
  func.func @_combine_body(%arg0: i32, %arg1: memref<40x8000xf32, #tpu.memory_space<vmem>>, %arg2: memref<40x8000xf32, #tpu.memory_space<vmem>>, %arg3: memref<1x1xf32, #tpu.memory_space<vmem>>, %arg4: memref<40x8000xf32, #tpu.memory_space<vmem>>) attributes {dimension_semantics = [#tpu.dimension_semantics<arbitrary>], iteration_bounds = array<i64: 1>, scalar_prefetch = 0 : i64, scratch_operands = 0 : i64, tpu.core_type = #tpu.core_type<tc>, window_params = [{transform_indices = @transform_0, window_bounds = array<i64: 40, 8000>}, {transform_indices = @transform_1, window_bounds = array<i64: 40, 8000>}, {pipeline_mode = #tpu.pipeline_mode<synchronous>, transform_indices = @transform_2, window_bounds = array<i64: 1, 1>}, {pipeline_mode = #tpu.pipeline_mode<synchronous>, transform_indices = @transform_3, window_bounds = array<i64: 40, 8000>}]} {
    %get3A = arith.constant 0 : index
    %get3A_0 = arith.constant 0 : index
    %get3A_1 = vector.load %arg1[%get3A, %get3A_0] : memref<40x8000xf32, #tpu.memory_space<vmem>>, vector<40x8000xf32>
    %get3A_2 = arith.constant 0 : index
    %get3A_3 = arith.constant 0 : index
    %get3A_4 = vector.load %arg2[%get3A_2, %get3A_3] : memref<40x8000xf32, #tpu.memory_space<vmem>>, vector<40x8000xf32>
    %add3A = arith.addf %get3A_1, %get3A_4 : vector<40x8000xf32>
    %get3A_5 = arith.constant 0 : index
    %get3A_6 = arith.constant 0 : index
    %get3A_7 = vector.load %arg3[%get3A_5, %get3A_6] : memref<1x1xf32, #tpu.memory_space<vmem>>, vector<1x1xf32>
    %add3A_8 = vector.broadcast %get3A_7 : vector<1x1xf32> to vector<40x8000xf32>
    %add3A_9 = arith.addf %add3A, %add3A_8 : vector<40x8000xf32>
    %logistic3A = arith.negf %add3A_9 : vector<40x8000xf32>
    %logistic3A_10 = math.exp %logistic3A : vector<40x8000xf32>
    %logistic3A_11 = arith.constant 1.000000e+00 : f32
    %logistic3A_12 = vector.broadcast %logistic3A_11 : f32 to vector<40x8000xf32>
    %logistic3A_13 = arith.addf %logistic3A_12, %logistic3A_10 : vector<40x8000xf32>
    %logistic3A_14 = arith.divf %logistic3A_12, %logistic3A_13 : vector<40x8000xf32>
    %swap3A = arith.constant 0 : index
    %swap3A_15 = arith.constant 0 : index
    %swap3A_16 = vector.load %arg4[%swap3A, %swap3A_15] : memref<40x8000xf32, #tpu.memory_space<vmem>>, vector<40x8000xf32>
    tpu.vector_store %arg4[%swap3A, %swap3A_15], %logistic3A_14 {strides = array<i32>} : memref<40x8000xf32, #tpu.memory_space<vmem>>, vector<40x8000xf32>,
    return
  }
  func.func @transform_0(%arg0: i32) -> (i32, i32) {
    %c0_i32 = arith.constant 0 : i32
    %c0_i32_0 = arith.constant 0 : i32
    %c0_i32_1 = arith.constant 0 : i32
    return %c0_i32, %c0_i32_0 : i32, i32
  }
  func.func @transform_1(%arg0: i32) -> (i32, i32) {
    %c1_i32 = arith.constant 1 : i32
    %c0_i32 = arith.constant 0 : i32
    %c0_i32_0 = arith.constant 0 : i32
    return %c1_i32, %c0_i32 : i32, i32
  }
  func.func @transform_2(%arg0: i32) -> (i32, i32) {
    %c0_i32 = arith.constant 0 : i32
    %c0_i32_0 = arith.constant 0 : i32
    %c0_i32_1 = arith.constant 0 : i32
    return %c0_i32, %c0_i32_0 : i32, i32
  }
  func.func @transform_3(%arg0: i32) -> (i32, i32) {
    %c0_i32 = arith.constant 0 : i32
    %c0_i32_0 = arith.constant 0 : i32
    %c0_i32_1 = arith.constant 0 : i32
    return %c0_i32, %c0_i32_0 : i32, i32
  }
}

</mosaic_0001>

<sc_bundles>
// kernel: kernel.6.cloned.1.call-start
scs
__scs_entry_jumppad:
0x0: {  	(pc) =	sbr.rel $0x88, $3  }
0x1: {  	(tag) =	ssettag $0x0;
	lr =	simm.s32 $0x1  }
0x2: {  	[smem:$0x3F9A] =	sst lr;
	_ =	strace $0xD0000000  }
0x3: {  	_ = 	snop  }
0x4: {  	_ = 	snop  }
0x5: {  	_ = 	snop  }
0x6: {  	_ = 	snop  }
0x7: {  	_ = 	snop  }
__scs_overlays_trampoline_lowered:
0x8: {  	[smem:$0x3FA9] =	sst s0  }
0x9: {  	[smem:$0x3FAA] =	sst s1  }
0xa: {  	[smem:$0x3FAB] =	sst s2  }
0xb: {  	[smem:$0x3FAC] =	sst s3  }
0xc: {  	[smem:$0x3FAD] =	sst s4  }
0xd: {  	[smem:$0x3FAE] =	sst s5  }
0xe: {  	[smem:$0x3FAF] =	sst s6  }
0xf: {  	[smem:$0x3FB0] =	sst s7  }
0x10: {  	[smem:$0x3FB1] =	sst s8  }
0x11: {  	[smem:$0x3FB2] =	sst s9;
	s0 =	simm.s32 @!p0 $0x0  }
0x12: {  	s1 =	sld [smem:$0x3F98];
	s0 =	simm.s32 @p0 $0x1  }
0x13: {  	[smem:$0x3FB3] =	sst s0;
	s0 =	simm.s32 @!p1 $0x0  }
0x14: {  	s2 =	sld [smem:$0x3F97];
	s0 =	simm.s32 @p1 $0x1  }
0x15: {  	[smem:$0x3FB4] =	sst s0;
	s0 =	simm.s32 @!p2 $0x0  }
0x16: {  	s3 =	sld [smem:$0x3FDB];
	s0 =	simm.s32 @p2 $0x1  }
0x17: {  	s4 =	simm.s32 $0x1BF5;
	[smem:$0x3FB6] =	sst s0  }
0x18: {  	s0 =	sld [smem:$0x3F99];
	_ =	swait.ge [sflag:s4], $0x0  }
0x19: {  	s7 =	sld [smem:$0x3F9A]  }
0x1a: {  	s8 =	sadd.s32 $0xFFFFE003, lr  }
0x1b: {  	s9 =	sadd.s32 $0xFFFFFEF7, lr;
	s5 =	simm.s32 $0xFFFFFFFF;
	p2 =	slt.u32 s8, $0xFFFFF086  }
0x1c: {  	p1 =	slt.u32 s9, $0xF7A;
	s5 =	simm.s32 @!p2 $0x0  }
0x1d: {  	s5 =	simm.s32 @p1 $0x1;
	p0 =	seq.s32 s7, s2  }
0x1e: {  	s7 =	smul.u32 @!p0 $0xF7A, s2;
	p2 =	seq.s32 @!p0 s5, $0x0  }
0x1f: {  	s9 =	smul.u32 $0xF7A, s1;
	s8 =	simm.s32 @!p0 $0x1BF5;
	p2 =	por !p2, p0  }
0x20: {  	[sflag:s8] =	ssyncset.s32 @!p0 $0xFFFFF086;
	s6 =	sadd.s32 @!p0 s3, s7;
	s7 =	simm.s32 @!p0 $0x108  }
0x21: {  	s3 =	sadd.s32 s3, s9;
	s6 =	sadd.s32 @!p0 $0x88, s6;
	s7 =	simm.s32 @p2 $0x1082  }
0x22: {  	[simem:s7], [sflag:s8] =	dma.local @!p0 [hbm:s6], $0xF7A  }
0x23: {  	s9 =	sor.u32 $0xD0000000, s2;
	s6 =	simm.s32 $0x108;
	_ =	swait.ge @!p0 [sflag:s8], $0x0  }
0x24: {  	s3 =	sadd.s32 $0x88, s3;
	s6 =	simm.s32 @!p1 $0x1082;
	[sflag:s4] =	ssyncset.s32 $0xFFFFF086  }
0x25: {  	[simem:s6], [sflag:s4] =	dma.local [hbm:s3], $0xF7A  }
0x26: {  	[smem:$0x3F9A] =	sst s1;
	(tag) =	ssettag s2;
	_ =	strace s9  }
0x27: {  	s1 =	sld [smem:$0x3FAA]  }
0x28: {  	s2 =	sld [smem:$0x3FAB]  }
0x29: {  	s4 =	sld [smem:$0x3FAD]  }
0x2a: {  	p0 =	seq.s32 s5, $0x0;
	s5 =	sld [smem:$0x3FAE]  }
0x2b: {  	s6 =	sld [smem:$0x3FAF]  }
0x2c: {  	s7 =	sld [smem:$0x3FB0]  }
0x2d: {  	s3 =	simm.s32 $0x108;
	s8 =	sld [smem:$0x3FB1]  }
0x2e: {  	s3 =	simm.s32 @!p0 $0x1082;
	s9 =	sld [smem:$0x3FB2]  }
0x2f: {  	lr =	sadd.s32 s0, s3;
	s0 =	sld [smem:$0x3FA9]  }
0x30: {  	s3 =	sld [smem:$0x3FAC]  }
0x31: {  	[smem:$0x3FB5] =	sst s10  }
0x32: {  	s10 =	sld [smem:$0x3FB3];
	_ =	sdelay $0x3  }
0x33: {  	p0 =	seq.s32 s10, $0x1;
	s10 =	sld [smem:$0x3FB5];
	_ =	sdelay $0x3  }
0x34: {  	[smem:$0x3FB5] =	sst s10  }
0x35: {  	s10 =	sld [smem:$0x3FB4];
	_ =	sdelay $0x3  }
0x36: {  	p1 =	seq.s32 s10, $0x1;
	s10 =	sld [smem:$0x3FB5];
	_ =	sdelay $0x3  }
0x37: {  	[smem:$0x3FB5] =	sst s10  }
0x38: {  	s10 =	sld [smem:$0x3FB6]  }
0x39: {  	_ = 	snop;
	(pc) =	sbr.ind lr, $3  }
0x3a: {  	_ = 	snop  }
0x3b: {  	_ = 	snop  }
0x3c: {  	p2 =	seq.s32 s10, $0x1;
	s10 =	sld [smem:$0x3FB5]  }
0x3d: {  	_ =	shalt  }
0x3e: {  	_ =	shalt  }
0x3f: {  	_ =	shalt  }
0x40: {  	_ =	shalt  }
0x41: {  	_ =	shalt  }
0x42: {  	_ =	shalt  }
0x43: {  	_ =	shalt  }
0x44: {  	_ =	shalt  }
0x45: {  	_ =	shalt  }
0x46: {  	_ =	shalt  }
0x47: {  	_ =	shalt  }
0x48: {  	_ =	shalt  }
0x49: {  	_ =	shalt  }
0x4a: {  	_ =	shalt  }
0x4b: {  	_ =	shalt  }
0x4c: {  	_ =	shalt  }
0x4d: {  	_ =	shalt  }
0x4e: {  	_ =	shalt  }
0x4f: {  	_ =	shalt  }
0x50: {  	_ =	shalt  }
0x51: {  	_ =	shalt  }
0x52: {  	_ =	shalt  }
0x53: {  	_ =	shalt  }
0x54: {  	_ =	shalt  }
0x55: {  	_ =	shalt  }
0x56: {  	_ =	shalt  }
0x57: {  	_ =	shalt  }
0x58: {  	_ =	shalt  }
0x59: {  	_ =	shalt  }
0x5a: {  	_ =	shalt  }
0x5b: {  	_ =	shalt  }
0x5c: {  	_ =	shalt  }
0x5d: {  	_ =	shalt  }
0x5e: {  	_ =	shalt  }
0x5f: {  	_ =	shalt  }
0x60: {  	_ =	shalt  }
0x61: {  	_ =	shalt  }
0x62: {  	_ =	shalt  }
0x63: {  	_ =	shalt  }
0x64: {  	_ =	shalt  }
0x65: {  	_ =	shalt  }
0x66: {  	_ =	shalt  }
0x67: {  	_ =	shalt  }
0x68: {  	_ =	shalt  }
0x69: {  	_ =	shalt  }
0x6a: {  	_ =	shalt  }
0x6b: {  	_ =	shalt  }
0x6c: {  	_ =	shalt  }
0x6d: {  	_ =	shalt  }
0x6e: {  	_ =	shalt  }
0x6f: {  	_ =	shalt  }
0x70: {  	_ =	shalt  }
0x71: {  	_ =	shalt  }
0x72: {  	_ =	shalt  }
0x73: {  	_ =	shalt  }
0x74: {  	_ =	shalt  }
0x75: {  	_ =	shalt  }
0x76: {  	_ =	shalt  }
0x77: {  	_ =	shalt  }
0x78: {  	_ =	shalt  }
0x79: {  	_ =	shalt  }
0x7a: {  	_ =	shalt  }
0x7b: {  	_ =	shalt  }
0x7c: {  	_ =	shalt  }
0x7d: {  	_ =	shalt  }
0x7e: {  	_ =	shalt  }
0x7f: {  	_ =	shalt  }
0x80: {  	_ =	shalt  }
0x81: {  	_ =	shalt  }
0x82: {  	_ =	shalt  }
0x83: {  	_ =	shalt  }
0x84: {  	_ =	shalt  }
0x85: {  	_ =	shalt  }
0x86: {  	_ =	shalt  }
0x87: {  	_ =	shalt  }
.Lfunc_end0:
.L_simem_size_0:
called_computation_lowered:
.L_overlay_start_0:
0x88: {  	s2 =	sld [smem:$0x3FD9]  }
0x89: {  	s3 =	sld [smem:$0x3FFE];
	_ =	sdelay $0x1  }
0x8a: {  	s1 =	srdreg.scid  }
0x8b: {  	s0 =	sand.u32 $0x1, s1  }
0x8c: {  	s17 =	sshll.u32 s0, $0xA;
	s2 =	sadd.s32 s3, s2  }
0x8d: {  	s2 =	sadd.s32 s2, s17  }
0x8e: {  	[smem:$0x3FC1] =	sst s2  }
0x8f: {  	_ = 	snop  }
0x90: {  	s2 =	sld [smem:$0x3FD0];
	(tm) =	ssettm $0x1  }
0x91: {  	s18 =	sld [smem:$0x3FFB];
	_ =	sdelay $0x3  }
0x92: {  	_ =	strace s18  }
0x93: {  	s3 =	sld [smem:$0x3FFC];
	_ =	sdelay $0x3  }
0x94: {  	_ =	strace s3  }
0x95: {  	s3 =	sld [smem:$0x3FFD];
	_ =	sdelay $0x3  }
0x96: {  	_ =	strace s3  }
0x97: {  	_ =	strace $0x8FFFFFFF  }
0x98: {  	s19 =	sld [smem:$0x3FDB];
	_ =	sdelay $0x1  }
0x99: {  	s4 =	simm.s32 $_scs_section_size  }
0x9a: {  	s5 =	simm.s32 $_size__tile_overlayer_lowered;
	s6 =	simm.s32 $_tile_overlayer_lowered  }
0x9b: {  	s22 =	simm.s32 $0x1BFF;
	s21 =	sshll.u32 s6, $0x1;
	s3 =	sadd.s32 s4, s19  }
0x9c: {  	s7 =	simm.s32 $0x0;
	s20 =	sshll.u32 s5, $0x1;
	s5 =	sadd.s32 s21, s3  }
0x9d: {  	[timem:s7], [sflag:s22] =	dma.local [hbm:s5], s20  }
0x9e: {  	_ =	swait.ge [sflag:s22], s20  }
0x9f: {  	s4 =	ssub.s32 $0x0, s20;
	[sflag:s22] =	ssyncset.done $0x0  }
0xa0: {  	[sflag:s22] =	ssyncadd.s32 s4;
	_ =	sdelay $0x1  }
0xa1: {  	s23 =	simm.s32 $0x1B8B  }
0xa2: {  	_ =	swait.ge [sflag:s23], $0x1  }
0xa3: {  	[sflag:s23] =	ssyncset.done $0x0  }
0xa4: {  	s25 =	simm.s32 $0x1B8E;
	s24 =	sld [smem:$0x3FFE];
	[sflag:s23] =	ssyncadd.s32 $0xFFFFFFFF  }
0xa5: {  	s26 =	simm.s32 $execute0_lowered;
	[smem:$0x3FD2] =	sst s25  }
0xa6: {  	s5 =	sshll.u32 s26, $0x1;
	_ =	strace $0x80000046;
	[dreg:$0x1] =	wrdreg $0xFFFFFFFF  }
0xa7: {  	s28 =	simm.s32 $_size_execute0_lowered;
	s3 =	sadd.s32 s3, s5;
	[dreg:$0x0] =	wrdreg $0x0  }
0xa8: {  	s5 =	sshll.u32 s28, $0x1;
	[dreg:$0x2] =	wrdreg s3  }
0xa9: {  	[dreg:$0x3] =	wrdreg s5  }
0xaa: {  	[dreg:$0x4] =	wrdreg $0xC0  }
0xab: {  	_ =	task [dreg:s7], $0x5FFFF  }
0xac: {  	[dreg:$0x1] =	wrdreg $0xFFFFFFFF  }
0xad: {  	[dreg:$0x0] =	wrdreg $0x60  }
0xae: {  	[dreg:$0x2] =	wrdreg s2  }
0xaf: {  	[dreg:$0x3] =	wrdreg s24  }
0xb0: {  	[dreg:$0x4] =	wrdreg $0x9  }
0xb1: {  	_ =	task.clear_ibuf [dreg:s7], $0x5FFFF;
	_ =	strace $0x90000046  }
0xb2: {  	s29 =	simm.s32 $0x9;
	_ =	strace $0x80000048  }
0xb3: {  	_ =	swait.ge [sflag:s29], $0x1  }
0xb4: {  	[sflag:s29] =	ssyncadd.s32 $0xFFFFFFFF  }
0xb5: {  	_ =	strace $0x90000048  }
0xb6: {  	_ =	sfence  }
0xb7: {  	s30 =	sld [smem:$0x0];
	_ =	sdelay $0x2  }
0xb8: {  	s31 =	sshll.u32 s1, $0xD;
	s1 =	sshrl.u32 s1, $0x2  }
0xb9: {  	s3 =	sand.u32 $0x4000, s31;
	s1 =	sadd.s32 s1, s30  }
0xba: {  	s0 =	sor.u32 s3, s0;
	s1 =	sshll.u32 s1, $0x11  }
0xbb: {  	s0 =	sor.u32 s1, s0  }
0xbc: {  	s0 =	sadd.s32 $0x8F2B, s0  }
0xbd: {  	[sflag:s0] =	ssyncadd.remote.s32 $0x1  }
0xbe: {  	_ =	sfence.sel $0xFFFF  }
0xbf: {  	[dreg:$0x0] =	wrdreg $0xFFFFFFFF;
	(pc) =	sbr.abs _section_cstart, $3  }
0xc0: {  	[dreg:$0x1] =	wrdreg $0xFFFFFFFF  }
0xc1: {  	_ =	task.clear_ibuf [dreg:s7], $0x2FFFF;
	_ =	strace $0x9FFFFFFF  }
0xc2: {  	(tm) =	ssettm $0x7FFFFFFF  }
0xc3: {  	_ =	shalt  }
tec
execute0_lowered:
.L_overlay_start_1:
0x0: {  	(tag) =	ssettag $0x1  }
0x1: {  	s0 =	rddreg [dreg:$0x0]  }
0x2: {  	s1 =	rddreg [dreg:$0x1];
	s2 =	simm.s32 $0x0  }
0x3: {  	s10 =	stileid.u32;
	s5 =	srdreg.scid;
	s28 =	simm.s32 $0x7680  }
0x4: {  	s29 =	simm.s32 $0x11480;
	s30 =	simm.s32 $0x1D900;
	[smem:$0x7FF] =	sst s2  }
0x5: {  	s7 =	sand.u32 $0x1, s10;
	s3 =	sadd.s32 $0x4FC00, s1;
	s4 =	sadd.s32 $0x1A00, s1  }
0x6: {  	s5 =	sand.u32 $0x1, s5;
	s10 =	sshrl.u32 s10, $0x1;
	s8 =	sshll.u32 s7, $0x6  }
0x7: {  	_ =	strace $0x80000047;
	s6 =	ssub.s32 $0x2, s5;
	s0 =	sadd.s32 s0, s8  }
0x8: {  	s11 =	sshll.u32 s5, $0x3;
	s20 =	sadd.s32 $0x2780, s0;
	[dreg:$0x3] =	wrdreg s0  }
0x9: {  	s5 =	sadd.s32 $0x63800, s1;
	s21 =	sadd.s32 $0x10, s0;
	[dreg:$0x4] =	wrdreg s20  }
0xa: {  	s17 =	smul.u32 $0x4E200, s7;
	s22 =	sadd.s32 $0x2790, s0;
	[dreg:$0x5] =	wrdreg s21  }
0xb: {  	s9 =	sadd.s32 s8, s1;
	s23 =	sadd.s32 $0x20, s0;
	[dreg:$0x6] =	wrdreg s22  }
0xc: {  	s19 =	sshrl.u32 s6, $0x1;
	s24 =	sadd.s32 $0x27A0, s0;
	[dreg:$0x7] =	wrdreg s23  }
0xd: {  	s10 =	sor.u32 s10, s11;
	s25 =	sadd.s32 $0x30, s0;
	[dreg:$0x8] =	wrdreg s24  }
0xe: {  	v0 =	vlaneseq.u32;
	s8 =	sshll.u32 s7, $0x2;
	s0 =	sadd.s32 $0x27B0, s0;
	[dreg:$0x9] =	wrdreg s25  }
0xf: {  	v0 =	vmul.u32 $0x8, v0;
	s7 =	simm.s32 $0x0;
	s26 =	sadd.s32 $0x63600, s9;
	[dreg:$0xa] =	wrdreg s0  }
0x10: {  	s1 =	ssub.s32 s6, s19;
	s6 =	smul.u32 $0x4E20, s10;
	[dreg:$0xb] =	wrdreg s26  }
0x11: {  	v2 =	vor.u32 $0x1, v0;
	s31 =	smax.u32 s1, $0x1;
	s21 =	simm.s32 $0x1;
	s22 =	simm.s32 $0x9E00  }
0x12: {  	v3 =	vor.u32 $0x2, v0;
	v4 =	vor.u32 $0x3, v0;
	v1 =	vor.u32 s8, v0;
	s23 =	simm.s32 $0x2780;
	s24 =	simm.s32 $0xC580;
	s25 =	simm.s32 $0x4F00  }
0x13: {  	v5 =	vor.u32 s8, v2;
	v6 =	vor.u32 s8, v3;
	v7 =	vor.u32 s8, v4;
	s26 =	simm.s32 $0xED00;
	s1 =	simm.s32 $0x15C00;
	[dreg:$0xc] =	wrdreg s31  }
.LBB2_1:
0x14: {  	[dreg:$0xd] =	wrdreg s7  }
0x15: {  	s0 =	rddreg [dreg:$0x3];
	s11 =	simm.s32 $0x80;
	s9 =	simm.s32 $0x400  }
0x16: {  	[tilespmem:s2], [sflag:$0x1] =	stream.strided.gather [hbm4b:s0+s11], $0x2780, s9, s11, $0x38;
	[tilespmem:$0x1EB00] =	vst v63  }
0x17: {  	_ =	swait.ge [sflag:s21], $0x2780  }
0x18: {  	[sflag:s21] =	ssyncset.done $0x0  }
0x19: {  	s12 =	rddreg [dreg:$0x4];
	[sflag:s21] =	ssyncadd.s32 $0xFFFFD880  }
0x1a: {  	[tilespmem:s22], [sflag:$0x1] =	stream.strided.gather [hbm4b:s12+s11], $0x2780, s9, s11, $0x38;
	[tilespmem:$0x1EB00] =	vst v63  }
0x1b: {  	_ =	swait.ge [sflag:s21], $0x2780  }
0x1c: {  	[sflag:s21] =	ssyncset.done $0x0  }
0x1d: {  	s13 =	rddreg [dreg:$0x5];
	[sflag:s21] =	ssyncadd.s32 $0xFFFFD880  }
0x1e: {  	[tilespmem:s23], [sflag:$0x1] =	stream.strided.gather [hbm4b:s13+s11], $0x2780, s9, s11, $0x38;
	[tilespmem:$0x1EB00] =	vst v63  }
0x1f: {  	_ =	swait.ge [sflag:s21], $0x2780  }
0x20: {  	[sflag:s21] =	ssyncset.done $0x0  }
0x21: {  	s14 =	rddreg [dreg:$0x6];
	[sflag:s21] =	ssyncadd.s32 $0xFFFFD880  }
0x22: {  	[tilespmem:s24], [sflag:$0x1] =	stream.strided.gather [hbm4b:s14+s11], $0x2780, s9, s11, $0x38;
	[tilespmem:$0x1EB00] =	vst v63  }
0x23: {  	_ =	swait.ge [sflag:s21], $0x2780  }
0x24: {  	[sflag:s21] =	ssyncset.done $0x0  }
0x25: {  	s15 =	rddreg [dreg:$0x7];
	[sflag:s21] =	ssyncadd.s32 $0xFFFFD880  }
0x26: {  	[tilespmem:s25], [sflag:$0x1] =	stream.strided.gather [hbm4b:s15+s11], $0x2780, s9, s11, $0x38;
	[tilespmem:$0x1EB00] =	vst v63  }
0x27: {  	_ =	swait.ge [sflag:s21], $0x2780  }
0x28: {  	[sflag:s21] =	ssyncset.done $0x0  }
0x29: {  	s16 =	rddreg [dreg:$0x8];
	[sflag:s21] =	ssyncadd.s32 $0xFFFFD880  }
0x2a: {  	[tilespmem:s26], [sflag:$0x1] =	stream.strided.gather [hbm4b:s16+s11], $0x2780, s9, s11, $0x38;
	[tilespmem:$0x1EB00] =	vst v63  }
0x2b: {  	_ =	swait.ge [sflag:s21], $0x2780  }
0x2c: {  	[sflag:s21] =	ssyncset.done $0x0  }
0x2d: {  	s18 =	rddreg [dreg:$0x9];
	[sflag:s21] =	ssyncadd.s32 $0xFFFFD880  }
0x2e: {  	[tilespmem:s28], [sflag:$0x1] =	stream.strided.gather [hbm4b:s18+s11], $0x2780, s9, s11, $0x38;
	[tilespmem:$0x1EB00] =	vst v63  }
0x2f: {  	_ =	swait.ge [sflag:s21], $0x2780  }
0x30: {  	[sflag:s21] =	ssyncset.done $0x0  }
0x31: {  	s19 =	rddreg [dreg:$0xa];
	[sflag:s21] =	ssyncadd.s32 $0xFFFFD880  }
0x32: {  	[tilespmem:s29], [sflag:$0x1] =	stream.strided.gather [hbm4b:s19+s11], $0x2780, s9, s11, $0x38;
	[tilespmem:$0x1EB00] =	vst v63  }
0x33: {  	_ =	swait.ge [sflag:s21], $0x2780  }
0x34: {  	[sflag:s21] =	ssyncset.done $0x0  }
0x35: {  	s31 =	simm.s32 $0x1E900;
	s20 =	rddreg [dreg:$0xb];
	[sflag:s21] =	ssyncadd.s32 $0xFFFFD880  }
0x36: {  	[tilespmem:s31], [sflag:$0x1] =	stream.linear.gather [hbm4b:s20+s2], $0x200, $0x38;
	[tilespmem:$0x1EB00] =	vst v63  }
0x37: {  	_ =	swait.ge [sflag:s21], $0x200  }
0x38: {  	[sflag:s21] =	ssyncset.done $0x0  }
0x39: {  	[sflag:s21] =	ssyncadd.s32 $0xFFFFFE00  }
0x3a: {  	v8 =	vld [tilespmem:$0x1E900]  }
0x3b: {  	v9 =	vld [tilespmem:$0x1E980]  }
0x3c: {  	v10 =	vld [tilespmem:$0x1EA00]  }
0x3d: {  	s10 =	simm.s32 $0x0;
	v11 =	vld [tilespmem:$0x1EA80]  }
.LBB2_2:
0x3e: {  	s7 =	smul.u32 $0xFA0, s10;
	_ =	sdelay $0x1  }
0x3f: {  	s11 =	sadd.s32 s6, s7  }
0x40: {  	s7 =	sshrl.u32 s11, $0x3  }
0x41: {  	s0 =	simm.s32 $0x13C00;
	s7 =	sadd.s32 s3, s7  }
0x42: {  	[tilespmem:s0], [sflag:$0x1] =	stream.linear.gather [hbm4b:s7+s2], $0xFA0, $0x38;
	[tilespmem:$0x1EB00] =	vst v63  }
0x43: {  	_ =	swait.ge [sflag:s21], $0xFA0  }
0x44: {  	[sflag:s21] =	ssyncset.done $0x0  }
0x45: {  	s16 =	simm.s32 $0x14C00;
	s7 =	sadd.s32 $0x9C40, s7;
	[sflag:s21] =	ssyncadd.s32 $0xFFFFF060  }
0x46: {  	[tilespmem:s16], [sflag:$0x1] =	stream.linear.gather [hbm4b:s7+s2], $0xFA0, $0x38;
	[tilespmem:$0x1EB00] =	vst v63  }
0x47: {  	_ =	swait.ge [sflag:s21], $0xFA0  }
0x48: {  	[sflag:s21] =	ssyncset.done $0x0  }
0x49: {  	s18 =	sadd.s32 s4, s11;
	[sflag:s21] =	ssyncadd.s32 $0xFFFFF060  }
0x4a: {  	[tilespmem:s1], [sflag:$0x1] =	stream.linear.gather [hbm4b:s18+s2], $0x7D00, $0x38;
	[tilespmem:$0x1EB00] =	vst v63  }
0x4b: {  	_ =	swait.ge [sflag:s21], $0x7D00  }
0x4c: {  	[sflag:s21] =	ssyncset.done $0x0  }
0x4d: {  	s19 =	simm.s32 $0x180;
	s13 =	simm.s32 $0x13C20;
	[sflag:s21] =	ssyncadd.s32 $0xFFFF8300  }
0x4e: {  	s12 =	simm.s32 $0x14C20;
	v13 =	vor.u32 s19, v6;
	v12 =	vld [tilespmem:s13+$0x10]  }
0x4f: {  	v15 =	vor.u32 s19, v5;
	v14 =	vld [tilespmem:s12+$0x10]  }
0x50: {  	v17 =	vor.u32 s19, v1;
	v16 =	vld [tilespmem:s12+$0xFFFFFFE0]  }
0x51: {  	v18 =	vld [tilespmem:s13+$0xFFFFFFF0]  }
0x52: {  	v25 =	vor.u32 s19, v7;
	v19 =	vld [tilespmem:s12+$0xFFFFFFF0]  }
0x53: {  	v13 =	vld.idx.msk [tilespmem:v13+s1+$0x0], $0xffff  }
0x54: {  	s14 =	simm.s32 $0x100;
	v15 =	vld.idx.msk [tilespmem:v15+s1+$0x0], $0xffff  }
0x55: {  	s31 =	simm.s32 $0x80;
	v40 =	vor.u32 s14, v1;
	v17 =	vld.idx.msk [tilespmem:v17+s1+$0x0], $0xffff  }
0x56: {  	v51 =	vor.u32 s31, v5;
	v27 =	vld [tilespmem:s13+$0x0]  }
0x57: {  	v52 =	vor.u32 s14, v5;
	v25 =	vld.idx.msk [tilespmem:v25+s1+$0x0], $0xffff  }
0x58: {  	v28 =	vld [tilespmem:s12+$0x0]  }
0x59: {  	v29 =	vld [tilespmem:s13+$0xFFFFFFE0]  }
0x5a: {  	v49 =	vld.idx.msk [tilespmem:v40+s1+$0x0], $0xffff  }
0x5b: {  	v56 =	vld.idx.msk [tilespmem:v51+s1+$0x0], $0xffff  }
0x5c: {  	v58 =	vld.idx.msk [tilespmem:v52+s1+$0x0], $0xffff  }
0x5d: {  	v20 =	vld.idx.msk [tilespmem:v12+s2+$0x0], $0xffff  }
0x5e: {  	v21 =	vld.idx.msk [tilespmem:v14+s22+$0x0], $0xffff  }
0x5f: {  	v22 =	vld.idx.msk [tilespmem:v12+s23+$0x0], $0xffff  }
0x60: {  	v23 =	vld.idx.msk [tilespmem:v14+s24+$0x0], $0xffff  }
0x61: {  	v24 =	vld.idx.msk [tilespmem:v12+s25+$0x0], $0xffff  }
0x62: {  	v26 =	vld.idx.msk [tilespmem:v14+s26+$0x0], $0xffff  }
0x63: {  	v12 =	vld.idx.msk [tilespmem:v12+s28+$0x0], $0xffff  }
0x64: {  	v14 =	vld.idx.msk [tilespmem:v14+s29+$0x0], $0xffff  }
0x65: {  	v30 =	vld.idx.msk [tilespmem:v16+s22+$0x0], $0xffff  }
0x66: {  	v31 =	vld.idx.msk [tilespmem:v18+s2+$0x0], $0xffff  }
0x67: {  	v32 =	vld.idx.msk [tilespmem:v19+s22+$0x0], $0xffff  }
0x68: {  	v33 =	vld.idx.msk [tilespmem:v16+s24+$0x0], $0xffff  }
0x69: {  	v34 =	vld.idx.msk [tilespmem:v27+s2+$0x0], $0xffff  }
0x6a: {  	v35 =	vld.idx.msk [tilespmem:v18+s23+$0x0], $0xffff  }
0x6b: {  	v36 =	vld.idx.msk [tilespmem:v28+s22+$0x0], $0xffff  }
0x6c: {  	s20 =	simm.s32 $0x0;
	v38 =	vld.idx.msk [tilespmem:v29+s2+$0x0], $0xffff  }
0x6d: {  	v50 =	vor.u32 s20, v5;
	v41 =	vld.idx.msk [tilespmem:v19+s24+$0x0], $0xffff  }
0x6e: {  	v42 =	vld.idx.msk [tilespmem:v19+s26+$0x0], $0xffff  }
0x6f: {  	v43 =	vld.idx.msk [tilespmem:v28+s26+$0x0], $0xffff  }
0x70: {  	v19 =	vld.idx.msk [tilespmem:v19+s29+$0x0], $0xffff  }
0x71: {  	v37 =	vor.u32 s20, v1;
	v39 =	vor.u32 s31, v1;
	v20 =	vadd.f32 v21, v20;
	v21 =	vld.idx.msk [tilespmem:v29+s23+$0x0], $0xffff  }
0x72: {  	v55 =	vor.u32 s20, v6;
	v12 =	vadd.f32 v14, v12;
	v53 =	vadd.f32 v30, v38;
	v30 =	vld.idx.msk [tilespmem:v50+s1+$0x0], $0xffff  }
0x73: {  	v57 =	vor.u32 s20, v7;
	v17 =	vadd.f32 v17, v20;
	v20 =	vadd.f32 v23, v22;
	v22 =	vld.idx.msk [tilespmem:v27+s23+$0x0], $0xffff  }
0x74: {  	v59 =	vor.u32 s14, v6;
	v60 =	vor.u32 s31, v7;
	v54 =	vadd.f32 v36, v34;
	v23 =	vld.idx.msk [tilespmem:v28+s24+$0x0], $0xffff  }
0x75: {  	v12 =	vadd.f32 v25, v12;
	v25 =	vld.idx.msk [tilespmem:v16+s26+$0x0], $0xffff;
	v17 =	vmax.f32 v17, $0.0e+00;
	v15 =	vadd.f32 v15, v20  }
0x76: {  	v61 =	vor.u32 s14, v7;
	v20 =	vadd.f32 v26, v24;
	v26 =	vld.idx.msk [tilespmem:v39+s1+$0x0], $0xffff;
	v17 =	vmul.f32 v17, v8  }
0x77: {  	v31 =	vadd.f32 v32, v31;
	v14 =	vadd.f32 v49, v54;
	v24 =	vld.idx.msk [tilespmem:v37+s1+$0x0], $0xffff;
	v15 =	vmax.f32 v15, $0.0e+00  }
0x78: {  	v13 =	vadd.f32 v13, v20;
	v20 =	vld.idx.msk [tilespmem:v29+s25+$0x0], $0xffff;
	v17 =	vadd.f32 $0.0e+00, v17;
	v15 =	vmul.f32 v15, v9  }
0x79: {  	v35 =	vadd.f32 v41, v35;
	v12 =	vmax.f32 v12, $0.0e+00;
	v14 =	vmax.f32 v14, $0.0e+00;
	v29 =	vld.idx.msk [tilespmem:v29+s28+$0x0], $0xffff  }
0x7a: {  	v14 =	vmul.f32 v14, v8;
	v13 =	vmax.f32 v13, $0.0e+00;
	v15 =	vadd.f32 v15, v17;
	v17 =	vld.idx.msk [tilespmem:v18+s25+$0x0], $0xffff  }
0x7b: {  	v21 =	vadd.f32 v33, v21;
	v13 =	vmul.f32 v13, v10;
	v26 =	vadd.f32 v26, v31;
	v31 =	vld.idx.msk [tilespmem:v16+s29+$0x0], $0xffff  }
0x7c: {  	v12 =	vmul.f32 v12, v11;
	v23 =	vadd.f32 v23, v22;
	v14 =	vadd.f32 $0.0e+00, v14;
	v18 =	vld.idx.msk [tilespmem:v18+s28+$0x0], $0xffff  }
0x7d: {  	v13 =	vadd.f32 v13, v15;
	v15 =	vld.idx.msk [tilespmem:v27+s25+$0x0], $0xffff;
	v16 =	vmax.f32 v26, $0.0e+00;
	v22 =	vadd.f32 v25, v20  }
0x7e: {  	v20 =	vadd.f32 v30, v21;
	v21 =	vld.idx.msk [tilespmem:v27+s28+$0x0], $0xffff;
	v27 =	vadd.f32 v56, v35;
	v16 =	vmul.f32 v16, v8  }
0x7f: {  	v12 =	vadd.f32 v12, v13;
	v13 =	vadd.f32 v24, v53;
	v24 =	vor.u32 s31, v6  }
0x80: {  	v62 =	vld.idx.msk [tilespmem:v28+s29+$0x0], $0xffff;
	v25 =	vadd.f32 $0.0e+00, v16;
	v26 =	vadd.f32 v42, v17;
	v17 =	vmax.f32 v20, $0.0e+00  }
0x81: {  	v36 =	vld.idx.msk [tilespmem:v60+s1+$0x0], $0xffff;
	v20 =	vadd.f32 v58, v23;
	v23 =	vmax.f32 v27, $0.0e+00;
	v13 =	vmax.f32 v13, $0.0e+00  }
0x82: {  	v16 =	vld.idx.msk [tilespmem:v55+s1+$0x0], $0xffff;
	v31 =	vadd.f32 v31, v29;
	v34 =	vadd.f32 v19, v18;
	v13 =	vmul.f32 v13, v8  }
0x83: {  	v37 =	vld.idx.msk [tilespmem:v61+s1+$0x0], $0xffff;
	v27 =	vadd.f32 v43, v15;
	v15 =	vmul.f32 v23, v9;
	v20 =	vmax.f32 v20, $0.0e+00  }
0x84: {  	s15 =	simm.s32 $0x14B80;
	s14 =	simm.s32 $0x7C00;
	v33 =	vld.idx.msk [tilespmem:v59+s1+$0x0], $0xffff;
	v17 =	vmul.f32 v17, v9;
	v63 =	vmul.f32 v20, v9;
	v13 =	vadd.f32 $0.0e+00, v13  }
0x85: {  	s19 =	simm.s32 $0x380;
	s20 =	simm.s32 $0x13C60;
	s18 =	simm.s32 $0x1D920;
	v35 =	vld.idx.msk [tilespmem:v57+s1+$0x0], $0xffff;
	v38 =	vadd.f32 v62, v21;
	v29 =	vadd.f32 v15, v25  }
0x86: {  	s7 =	simm.s32 $0x0;
	s16 =	simm.s32 $0x15B80;
	s13 =	simm.s32 $0x1E880;
	[tilespmem:s18+$0x10] =	vst v12;
	v32 =	vld.idx.msk [tilespmem:v24+s1+$0x0], $0xffff;
	v30 =	vadd.f32 v63, v14;
	v28 =	vadd.f32 v17, v13  }
.LBB2_3:
0x87: {  	s9 =	sadd.s32 $0xFFFFFE80, s19;
	s31 =	sadd.s32 $0xFFFFFF00, s19;
	v39 =	vld [tilespmem:s20+$0x10];
	v40 =	vor.u32 s19, v6;
	v41 =	vadd.f32 v16, v22;
	s12 =	sadd.s32 $0x40, s12  }
0x88: {  	s0 =	sadd.s32 $0xFFFFFF80, s19;
	v43 =	vor.u32 s19, v5;
	s7 =	sadd.s32 $0x4, s7;
	v25 =	vor.u32 s9, v1;
	v24 =	vor.u32 s31, v1;
	v42 =	vld [tilespmem:s12+$0x10]  }
0x89: {  	v45 =	vor.u32 s19, v1;
	v22 =	vor.u32 s9, v5;
	v44 =	vor.u32 s0, v1;
	p0 =	slt.u32 s7, $0xF4;
	v18 =	vld [tilespmem:s12+$0xFFFFFFE0]  }
0x8a: {  	v16 =	vor.u32 s9, v6;
	v23 =	vor.u32 s31, v5;
	v21 =	vor.u32 s0, v5;
	v19 =	vld [tilespmem:s20+$0xFFFFFFF0]  }
0x8b: {  	v13 =	vor.u32 s9, v7;
	v17 =	vor.u32 s31, v6;
	v15 =	vor.u32 s0, v6;
	v20 =	vld [tilespmem:s12+$0xFFFFFFF0]  }
0x8c: {  	v26 =	vadd.f32 v32, v26;
	v14 =	vor.u32 s31, v7;
	v12 =	vor.u32 s0, v7;
	v40 =	vld.idx.msk [tilespmem:v40+s1+$0x0], $0xffff  }
0x8d: {  	v27 =	vadd.f32 v33, v27;
	v41 =	vmax.f32 v41, $0.0e+00;
	v31 =	vadd.f32 v35, v31;
	v32 =	vld.idx.msk [tilespmem:v43+s1+$0x0], $0xffff  }
0x8e: {  	v26 =	vmax.f32 v26, $0.0e+00;
	v34 =	vadd.f32 v36, v34;
	v35 =	vadd.f32 v37, v38;
	v33 =	vld.idx.msk [tilespmem:v45+s1+$0x0], $0xffff  }
0x8f: {  	v26 =	vmul.f32 v26, v10;
	v27 =	vmax.f32 v27, $0.0e+00;
	v37 =	vmul.f32 v41, v10;
	v36 =	vld.idx.msk [tilespmem:v39+s2+$0x0], $0xffff  }
0x90: {  	v31 =	vmax.f32 v31, $0.0e+00;
	v27 =	vmul.f32 v27, v10;
	v34 =	vmax.f32 v34, $0.0e+00;
	v38 =	vld.idx.msk [tilespmem:v42+s22+$0x0], $0xffff  }
0x91: {  	v26 =	vadd.f32 v26, v29;
	v28 =	vadd.f32 v37, v28;
	v29 =	vmax.f32 v35, $0.0e+00;
	v41 =	vld.idx.msk [tilespmem:v39+s23+$0x0], $0xffff  }
0x92: {  	v31 =	vmul.f32 v31, v11;
	v34 =	vmul.f32 v34, v11;
	v27 =	vadd.f32 v27, v30;
	v35 =	vld.idx.msk [tilespmem:v42+s24+$0x0], $0xffff  }
0x93: {  	v37 =	vor.u32 s19, v7;
	v29 =	vmul.f32 v29, v11;
	v30 =	vld.idx.msk [tilespmem:v39+s25+$0x0], $0xffff  }
0x94: {  	v28 =	vadd.f32 v31, v28;
	v26 =	vadd.f32 v34, v26;
	v43 =	vld.idx.msk [tilespmem:v42+s26+$0x0], $0xffff  }
0x95: {  	v27 =	vadd.f32 v29, v27;
	v31 =	vld.idx.msk [tilespmem:v39+s28+$0x0], $0xffff  }
0x96: {  	v29 =	vadd.f32 v38, v36;
	v34 =	vld.idx.msk [tilespmem:v42+s29+$0x0], $0xffff;
	[tilespmem:s18+$0xFFFFFFE0] =	vst v28  }
0x97: {  	v28 =	vld [tilespmem:s20+$0x0];
	[tilespmem:s18+$0xFFFFFFF0] =	vst v26  }
0x98: {  	v26 =	vadd.f32 v33, v29;
	v29 =	vadd.f32 v35, v41;
	v33 =	vld.idx.msk [tilespmem:v37+s1+$0x0], $0xffff;
	[tilespmem:s18+$0x0] =	vst v27  }
0x99: {  	v35 =	vld [tilespmem:s12+$0x0]  }
0x9a: {  	v26 =	vmax.f32 v26, $0.0e+00;
	v29 =	vadd.f32 v32, v29;
	v30 =	vadd.f32 v43, v30;
	v27 =	vld [tilespmem:s20+$0xFFFFFFE0]  }
0x9b: {  	v26 =	vmul.f32 v26, v8;
	v32 =	vld.idx.msk [tilespmem:v18+s22+$0x0], $0xffff  }
0x9c: {  	v29 =	vmax.f32 v29, $0.0e+00;
	v30 =	vadd.f32 v40, v30;
	v31 =	vadd.f32 v34, v31;
	v36 =	vld.idx.msk [tilespmem:v19+s2+$0x0], $0xffff  }
0x9d: {  	v26 =	vadd.f32 $0.0e+00, v26;
	v29 =	vmul.f32 v29, v9;
	v34 =	vld.idx.msk [tilespmem:v20+s22+$0x0], $0xffff  }
0x9e: {  	v30 =	vmax.f32 v30, $0.0e+00;
	v31 =	vadd.f32 v33, v31;
	v37 =	vld.idx.msk [tilespmem:v18+s24+$0x0], $0xffff  }
0x9f: {  	v26 =	vadd.f32 v29, v26;
	v29 =	vmul.f32 v30, v10;
	v33 =	vld.idx.msk [tilespmem:v28+s2+$0x0], $0xffff  }
0xa0: {  	v31 =	vmax.f32 v31, $0.0e+00;
	v30 =	vld.idx.msk [tilespmem:v19+s23+$0x0], $0xffff  }
0xa1: {  	v26 =	vadd.f32 v29, v26;
	v29 =	vmul.f32 v31, v11;
	v38 =	vld.idx.msk [tilespmem:v35+s22+$0x0], $0xffff  }
0xa2: {  	v31 =	vld.idx.msk [tilespmem:v27+s2+$0x0], $0xffff  }
0xa3: {  	v34 =	vadd.f32 v34, v36;
	v26 =	vadd.f32 v29, v26;
	v39 =	vld.idx.msk [tilespmem:v27+s23+$0x0], $0xffff  }
0xa4: {  	s18 =	sadd.s32 $0x40, s18;
	v29 =	vld.idx.msk [tilespmem:v20+s24+$0x0], $0xffff  }
0xa5: {  	v36 =	vld.idx.msk [tilespmem:v28+s23+$0x0], $0xffff;
	[tilespmem:s18+$0x10] =	vst v26  }
0xa6: {  	v26 =	vld.idx.msk [tilespmem:v35+s24+$0x0], $0xffff  }
0xa7: {  	v33 =	vadd.f32 v38, v33;
	v25 =	vld.idx.msk [tilespmem:v25+s1+$0x0], $0xffff  }
0xa8: {  	v31 =	vadd.f32 v32, v31;
	v24 =	vld.idx.msk [tilespmem:v24+s1+$0x0], $0xffff  }
0xa9: {  	v32 =	vadd.f32 v37, v39;
	v37 =	vld.idx.msk [tilespmem:v44+s1+$0x0], $0xffff  }
0xaa: {  	v29 =	vadd.f32 v29, v30;
	v38 =	vld.idx.msk [tilespmem:v27+s25+$0x0], $0xffff  }
0xab: {  	v30 =	vld.idx.msk [tilespmem:v18+s26+$0x0], $0xffff  }
0xac: {  	v36 =	vadd.f32 v26, v36;
	v39 =	vld.idx.msk [tilespmem:v19+s25+$0x0], $0xffff  }
0xad: {  	v25 =	vadd.f32 v25, v31;
	v26 =	vld.idx.msk [tilespmem:v20+s26+$0x0], $0xffff  }
0xae: {  	v24 =	vadd.f32 v24, v34;
	v31 =	vld.idx.msk [tilespmem:v28+s25+$0x0], $0xffff  }
0xaf: {  	v25 =	vmax.f32 v25, $0.0e+00;
	v33 =	vadd.f32 v37, v33;
	v34 =	vld.idx.msk [tilespmem:v35+s26+$0x0], $0xffff  }
0xb0: {  	v25 =	vmul.f32 v25, v8;
	v24 =	vmax.f32 v24, $0.0e+00;
	v37 =	vld.idx.msk [tilespmem:v22+s1+$0x0], $0xffff  }
0xb1: {  	v22 =	vadd.f32 v30, v38;
	v24 =	vmul.f32 v24, v8;
	v30 =	vmax.f32 v33, $0.0e+00;
	v23 =	vld.idx.msk [tilespmem:v23+s1+$0x0], $0xffff  }
0xb2: {  	v25 =	vadd.f32 $0.0e+00, v25;
	v30 =	vmul.f32 v30, v8;
	v21 =	vld.idx.msk [tilespmem:v21+s1+$0x0], $0xffff  }
0xb3: {  	v24 =	vadd.f32 $0.0e+00, v24;
	v26 =	vadd.f32 v26, v39;
	v33 =	vld.idx.msk [tilespmem:v27+s28+$0x0], $0xffff  }
0xb4: {  	v30 =	vadd.f32 $0.0e+00, v30;
	v18 =	vld.idx.msk [tilespmem:v18+s29+$0x0], $0xffff  }
0xb5: {  	v27 =	vadd.f32 v34, v31;
	v19 =	vld.idx.msk [tilespmem:v19+s28+$0x0], $0xffff  }
0xb6: {  	v31 =	vadd.f32 v37, v32;
	v20 =	vld.idx.msk [tilespmem:v20+s29+$0x0], $0xffff  }
0xb7: {  	v23 =	vadd.f32 v23, v29;
	v38 =	vld.idx.msk [tilespmem:v28+s28+$0x0], $0xffff  }
0xb8: {  	v28 =	vmax.f32 v31, $0.0e+00;
	v21 =	vadd.f32 v21, v36;
	v39 =	vld.idx.msk [tilespmem:v35+s29+$0x0], $0xffff  }
0xb9: {  	v28 =	vmul.f32 v28, v9;
	v23 =	vmax.f32 v23, $0.0e+00;
	v16 =	vld.idx.msk [tilespmem:v16+s1+$0x0], $0xffff  }
.Ltmp0:
0xba: {  	v31 =	vadd.f32 v18, v33;
	v18 =	vmul.f32 v23, v9;
	v32 =	vld.idx.msk [tilespmem:v17+s1+$0x0], $0xffff;
	v17 =	vmax.f32 v21, $0.0e+00;
	(pc) =	sbr.rel @p0 .LBB2_3-.Ltmp0, $4  }
0xbb: {  	v28 =	vadd.f32 v28, v25;
	v17 =	vmul.f32 v17, v9;
	v33 =	vld.idx.msk [tilespmem:v15+s1+$0x0], $0xffff  }
0xbc: {  	v29 =	vadd.f32 v18, v24;
	v34 =	vadd.f32 v20, v19;
	v35 =	vld.idx.msk [tilespmem:v13+s1+$0x0], $0xffff  }
0xbd: {  	v36 =	vld.idx.msk [tilespmem:v14+s1+$0x0], $0xffff;
	v30 =	vadd.f32 v17, v30  }
0xbe: {  	s19 =	sadd.s32 $0x200, s19;
	s20 =	sadd.s32 $0x40, s20;
	v38 =	vadd.f32 v39, v38;
	v37 =	vld.idx.msk [tilespmem:v12+s1+$0x0], $0xffff  }
0xbf: {  	v12 =	vadd.f32 v16, v22  }
0xc0: {  	v13 =	vadd.f32 v32, v26  }
0xc1: {  	v15 =	vadd.f32 v33, v27;
	v12 =	vmax.f32 v12, $0.0e+00  }
0xc2: {  	v14 =	vadd.f32 v35, v31;
	v13 =	vmax.f32 v13, $0.0e+00;
	v62 =	vadd.f32 v36, v34  }
0xc3: {  	v12 =	vmul.f32 v12, v10;
	v13 =	vmul.f32 v13, v10;
	v15 =	vmax.f32 v15, $0.0e+00  }
0xc4: {  	v17 =	vadd.f32 v37, v38;
	v14 =	vmax.f32 v14, $0.0e+00;
	v15 =	vmul.f32 v15, v10  }
0xc5: {  	v16 =	vmax.f32 v62, $0.0e+00;
	v12 =	vadd.f32 v12, v28;
	v14 =	vmul.f32 v14, v11  }
0xc6: {  	v13 =	vadd.f32 v13, v29;
	v17 =	vmax.f32 v17, $0.0e+00;
	v16 =	vmul.f32 v16, v11  }
0xc7: {  	v15 =	vadd.f32 v15, v30;
	v17 =	vmul.f32 v17, v11;
	v12 =	vadd.f32 v14, v12  }
0xc8: {  	v13 =	vadd.f32 v16, v13  }
0xc9: {  	v63 =	vadd.f32 v17, v15;
	[tilespmem:s18+$0xFFFFFFE0] =	vst v12  }
0xca: {  	[tilespmem:s18+$0xFFFFFFF0] =	vst v13  }
0xcb: {  	[tilespmem:s18+$0x0] =	vst v63  }
.LBB2_5:
0xcc: {  	s0 =	sor.u32 s8, s14  }
0xcd: {  	v12 =	vld [tilespmem:s15+$0x0];
	v14 =	vor.u32 s0, v0  }
0xce: {  	v13 =	vld [tilespmem:s16+$0x0];
	v16 =	vor.u32 s0, v2  }
0xcf: {  	v19 =	vor.u32 s0, v3;
	_ =	sdelay $0x2  }
0xd0: {  	v14 =	vld.idx.msk [tilespmem:v14+s1+$0x0], $0xffff  }
0xd1: {  	v16 =	vld.idx.msk [tilespmem:v16+s1+$0x0], $0xffff  }
0xd2: {  	v19 =	vld.idx.msk [tilespmem:v19+s1+$0x0], $0xffff  }
0xd3: {  	v15 =	vld.idx.msk [tilespmem:v12+s2+$0x0], $0xffff  }
0xd4: {  	v17 =	vld.idx.msk [tilespmem:v13+s22+$0x0], $0xffff  }
0xd5: {  	v18 =	vld.idx.msk [tilespmem:v12+s23+$0x0], $0xffff  }
0xd6: {  	v20 =	vld.idx.msk [tilespmem:v13+s24+$0x0], $0xffff  }
0xd7: {  	v23 =	vor.u32 s0, v4;
	v21 =	vld.idx.msk [tilespmem:v12+s25+$0x0], $0xffff  }
0xd8: {  	v22 =	vld.idx.msk [tilespmem:v13+s26+$0x0], $0xffff  }
0xd9: {  	v12 =	vld.idx.msk [tilespmem:v12+s28+$0x0], $0xffff;
	v15 =	vadd.f32 v17, v15  }
0xda: {  	v13 =	vld.idx.msk [tilespmem:v13+s29+$0x0], $0xffff  }
0xdb: {  	v57 =	vadd.f32 v20, v18;
	v14 =	vadd.f32 v14, v15  }
0xdc: {  	v58 =	vld.idx.msk [tilespmem:v23+s1+$0x0], $0xffff  }
0xdd: {  	v59 =	vadd.f32 v22, v21;
	v15 =	vadd.f32 v16, v57;
	v14 =	vmax.f32 v14, $0.0e+00  }
0xde: {  	v14 =	vmul.f32 v14, v8  }
0xdf: {  	v12 =	vadd.f32 v13, v12;
	v16 =	vadd.f32 v19, v59;
	v15 =	vmax.f32 v15, $0.0e+00  }
0xe0: {  	v61 =	vmul.f32 v15, v9;
	v60 =	vadd.f32 $0.0e+00, v14  }
0xe1: {  	v12 =	vadd.f32 v58, v12;
	v62 =	vmax.f32 v16, $0.0e+00  }
0xe2: {  	v63 =	vmul.f32 v62, v10;
	v13 =	vadd.f32 v61, v60  }
0xe3: {  	p0 =	sne.s32 s14, $0x7C80;
	v12 =	vmax.f32 v12, $0.0e+00  }
.Ltmp1:
0xe4: {  	v12 =	vmul.f32 v12, v11;
	v13 =	vadd.f32 v63, v13;
	(pc) =	sbr.rel @p0 .LBB2_5-.Ltmp1, $4  }
0xe5: {  	_ = 	snop  }
0xe6: {  	v12 =	vadd.f32 v12, v13  }
0xe7: {  	s15 =	sadd.s32 $0x10, s15  }
0xe8: {  	s16 =	sadd.s32 $0x10, s16;
	s14 =	sadd.s32 $0x80, s14;
	[tilespmem:s13+$0x0] =	vst v12;
	s13 =	sadd.s32 $0x10, s13  }
0xe9: {  	s0 =	sadd.s32 s17, s11;
	s10 =	sadd.s32 $0x1, s10  }
0xea: {  	s0 =	sshrl.u32 s0, $0x3;
	p0 =	sne.s32 s10, $0x5  }
.Ltmp2:
0xeb: {  	s0 =	sadd.s32 s5, s0;
	(pc) =	sbr.rel @p0 .LBB2_2-.Ltmp2, $4  }
0xec: {  	[hbm4b:s0+s2] =	stream.linear.scatter [tilespmem:s30], [sflag:$0x1], $0xFA0, $0x38;
	[tilespmem:$0x1EB00] =	vst v63  }
0xed: {  	_ =	swait.ge [sflag:s21], $0xFA0  }
0xee: {  	[sflag:s21] =	ssyncset.done $0x0  }
0xef: {  	[sflag:s21] =	ssyncadd.s32 $0xFFFFF060  }
0xf0: {  	s7 =	rddreg [dreg:$0xd]  }
0xf1: {  	s0 =	rddreg [dreg:$0xc];
	s7 =	sadd.s32 $0x1, s7  }
0xf2: {  	p0 =	sne.s32 s7, s0  }
.Ltmp3:
0xf3: {  	_ = 	snop;
	(pc) =	sbr.rel @p0 .LBB2_1-.Ltmp3, $1  }
0xf4: {  	_ =	sdelay $0x3  }
0xf5: {  	_ =	sfence.sel $0x180000  }
0xf6: {  	[bflag:$0x0] =	sbarrier.arrive $0xFFFF  }
0xf7: {  	_ =	strace $0x90000047  }
0xf8: {  	s0 =	stileid.u32;
	[bflag:$0x2] =	sbarrier.arrive $0xFFFF  }
0xf9: {  	p0 =	sne.s32 s0, $0x0;
	s0 =	rddreg [dreg:$0x2]  }
0xfa: {  	s0 =	sadd.s32 @!p0 $0x100000, s0  }
0xfb: {  	[sflag:s0] =	ssyncadd.tile.s32 @!p0 $0x1;
	_ =	shalt  }
.Lfunc_end2:
_tile_overlayer_lowered:
.L_overlay_start_2:
0xfc: {  	(tag) =	ssettag $0x2  }
0xfd: {  	s0 =	rddreg [dreg:$0x0];
	s2 =	stileid.u32  }
0xfe: {  	s1 =	rddreg [dreg:$0x1];
	p0 =	sne.s32 s2, $0x0  }
0xff: {  	s3 =	rddreg [dreg:$0x2];
	[bflag:$0x3] =	sbarrier.arrive $0xFFFF;
	s2 =	simm.s32 @!p0 $0x1C01  }
0x100: {  	[timem:s3], [sflag:s2] =	dma.local @!p0 [hbm:s0], s1  }
0x101: {  	s0 =	simm.s32 @!p0 $0x1  }
0x102: {  	_ =	swait.ge @!p0 [sflag:s0], s1  }
0x103: {  	s1 =	ssub.s32 @!p0 $0x0, s1;
	[sflag:s0] =	ssyncset.done @!p0 $0x0  }
0x104: {  	[sflag:s0] =	ssyncadd.s32 @!p0 s1  }
0x105: {  	[bflag:$0x3] =	sbarrier.arrive $0xFFFF  }
0x106: {  	_ =	shalt  }

</sc_bundles>
